<compile_context>
chip_gen: v7x
topology: tpu7x:2x2x1
jax: 0.10.2.dev20260603
libtpu: 0.0.44.dev20260713+nightly
codegen_flags: <defaults>
</compile_context>

<pallas_src>
import functools

import jax
import jax.numpy as jnp
from jax import lax
from jax.experimental import pallas as pl
from jax.experimental.pallas import tpu as pltpu
from jax.experimental.pallas import tpu_sc as plsc

NC = 2
NS = 16
NW = NC * NS
CHUNK = 128
LANES = 16


def _sc_gather_scatter(src, dst, x, n_pad, n_chunks, rows_per_tile):
    D = x.shape[1]
    mesh = plsc.VectorSubcoreMesh(core_axis_name="c", subcore_axis_name="s",
                                  num_cores=NC, num_subcores=NS)

    full = rows_per_tile // CHUNK

    @functools.partial(
        pl.kernel,
        out_type=[
            jax.ShapeDtypeStruct((NC * n_pad * D,), jnp.float32),
            jax.ShapeDtypeStruct((NC * n_pad,), jnp.float32),
        ],
        mesh=mesh,
        scratch_types=[
            pltpu.VMEM((CHUNK,), jnp.int32),
            pltpu.VMEM((CHUNK,), jnp.int32),
            pltpu.VMEM((CHUNK,), jnp.int32),
            pltpu.VMEM((CHUNK,), jnp.int32),
            pltpu.VMEM((CHUNK, D), jnp.float32),
            pltpu.VMEM((CHUNK,), jnp.float32),
            pltpu.VMEM_SHARED((n_pad * D,), jnp.float32),
            pltpu.VMEM_SHARED((n_pad,), jnp.float32),
            pltpu.SemaphoreType.DMA,
        ],
    )
    def k(src_h, dst_h, x_h, iota_h, agg_h, cnt_h, sidx, didx, eidx, iota128,
          rows, ones1, agg_s, cnt_s, sem):
        c = lax.axis_index("c")
        s = lax.axis_index("s")
        wid = s * NC + c

        pltpu.sync_copy(iota_h.at[pl.ds(0, CHUNK)], iota128)

        zero16 = jnp.zeros((LANES,), jnp.float32)

        def zrow(i, carry):
            def zcol(j, carry2):
                rows[i, pl.ds(j * LANES, LANES)] = zero16
                return carry2
            lax.fori_loop(0, D // LANES, zcol, 0)
            return carry
        lax.fori_loop(0, CHUNK, zrow, 0)

        def z1(j, carry):
            ones1[pl.ds(j * LANES, LANES)] = zero16
            return carry
        lax.fori_loop(0, CHUNK // LANES, z1, 0)

        def fill_eidx(r):
            base = r * D

            def fill(j, c2):
                eidx[pl.ds(j * LANES, LANES)] = (
                    base + iota128[pl.ds(j * LANES, LANES)])
                return c2
            lax.fori_loop(0, CHUNK // LANES, fill, 0)

        r0 = s * rows_per_tile

        def zagg(i, carry):
            fill_eidx(r0 + i)
            pltpu.sync_copy(rows.at[0], agg_s.at[eidx])
            return carry
        lax.fori_loop(0, rows_per_tile, zagg, 0)

        def zcnt(i, carry):
            pltpu.sync_copy(iota_h.at[pl.ds(r0 + i * CHUNK, CHUNK)], didx)
            pltpu.sync_copy(ones1, cnt_s.at[didx])
            return carry
        lax.fori_loop(0, full, zcnt, 0)

        one16 = jnp.ones((LANES,), jnp.float32)

        def orow(j, carry):
            ones1[pl.ds(j * LANES, LANES)] = one16
            return carry
        lax.fori_loop(0, CHUNK // LANES, orow, 0)

        plsc.subcore_barrier()

        ebase = wid * (n_chunks * CHUNK)

        def body(j, carry):
            eb = ebase + j * CHUNK
            pltpu.sync_copy(src_h.at[pl.ds(eb, CHUNK)], sidx)
            pltpu.sync_copy(dst_h.at[pl.ds(eb, CHUNK)], didx)
            pltpu.async_copy(x_h.at[sidx], rows, sem).wait()
            pltpu.sync_copy(ones1, cnt_s.at[didx], add=True)

            def per_group(g, c2):
                dvec = didx[pl.ds(g * LANES, LANES)]
                for l in range(LANES):
                    fill_eidx(dvec[l])
                    pltpu.sync_copy(rows.at[g * LANES + l], agg_s.at[eidx],
                                    add=True)
                return c2
            lax.fori_loop(0, CHUNK // LANES, per_group, 0)
            return carry
        lax.fori_loop(0, n_chunks, body, 0)

        plsc.subcore_barrier()

        def wagg(i, carry):
            r = r0 + i
            fill_eidx(r)
            pltpu.sync_copy(agg_s.at[eidx], ones1)
            pltpu.sync_copy(ones1, agg_h.at[pl.ds((c * n_pad + r) * D, CHUNK)])
            return carry
        lax.fori_loop(0, rows_per_tile, wagg, 0)

        def wcnt(i, carry):
            r = r0 + i * CHUNK
            pltpu.sync_copy(iota_h.at[pl.ds(r, CHUNK)], didx)
            pltpu.sync_copy(cnt_s.at[didx], ones1)
            pltpu.sync_copy(ones1, cnt_h.at[pl.ds(c * n_pad + r, CHUNK)])
            return carry
        lax.fori_loop(0, full, wcnt, 0)

    iota = jnp.arange(n_pad, dtype=jnp.int32)
    return k(src, dst, x, iota)


def _tc_finish(aggp, cntp, x, wl_t, wr_t, b2, block_n):
    N, D = x.shape
    n_blocks = N // block_n

    def body(agg_ref, cnt_ref, x_ref, wl_ref, wr_ref, b_ref, o_ref):
        p = agg_ref[0] + agg_ref[1]
        cnt = cnt_ref[0] + cnt_ref[1]
        recip = 1.0 / jnp.maximum(cnt[:, :1], 1.0)
        mean = p * recip
        acc = jnp.dot(mean, wl_ref[...], preferred_element_type=jnp.float32)
        acc += jnp.dot(x_ref[...], wr_ref[...], preferred_element_type=jnp.float32)
        acc += b_ref[...]
        o_ref[...] = jnp.maximum(acc, 0.0)

    return pl.pallas_call(
        body,
        grid=(n_blocks,),
        in_specs=[
            pl.BlockSpec((NC, block_n, D), lambda i: (0, i, 0)),
            pl.BlockSpec((NC, block_n, 1), lambda i: (0, i, 0)),
            pl.BlockSpec((block_n, D), lambda i: (i, 0)),
            pl.BlockSpec((D, D), lambda i: (0, 0)),
            pl.BlockSpec((D, D), lambda i: (0, 0)),
            pl.BlockSpec((1, D), lambda i: (0, 0)),
        ],
        out_specs=pl.BlockSpec((block_n, D), lambda i: (i, 0)),
        out_shape=jax.ShapeDtypeStruct((N, D), jnp.float32),
    )(aggp, cntp, x, wl_t, wr_t, b2)


def kernel(x, edge_index, W_l, W_r, b):
    N, D = x.shape
    E = edge_index.shape[1]

    e_w = (-(-E // NW) + CHUNK - 1) // CHUNK * CHUNK
    n_chunks = e_w // CHUNK
    e_pad = e_w * NW

    n_pad = -(-(N + 1) // (NS * CHUNK)) * (NS * CHUNK)
    rows_per_tile = n_pad // NS

    src = jnp.concatenate([edge_index[0], jnp.zeros((e_pad - E,), jnp.int32)])
    dst = jnp.concatenate([edge_index[1], jnp.full((e_pad - E,), N, jnp.int32)])

    aggp, cntp = _sc_gather_scatter(src, dst, x, n_pad, n_chunks, rows_per_tile)
    aggp = aggp.reshape(NC, n_pad, D)
    cntp = cntp.reshape(NC, n_pad, 1)

    return _tc_finish(aggp, cntp, x, W_l.T, W_r.T, b.reshape(1, D),
                      block_n=1000)

# --- scband reference (transcript-rebuilt; emitter-appended) ---
"""Pipeline reference for scband-old-local-graph-embedding-86749749444729 (READ-ONLY COPY).

The authoritative reference and input builder live on the scoring server;
editing this copy changes nothing except your own understanding.
"""

import jax, jax.numpy as jnp
import numpy as np

N = 10000
E = 320000
D_IN = 128
D_OUT = 128


def setup_inputs(seed: int = 0) -> dict:
    key = jax.random.key(seed)
    k1, k2, k3, k4, k5 = jax.random.split(key, 5)
    x = jax.random.normal(k1, (N, D_IN), dtype=jnp.float32)
    edge_index = jax.random.randint(k2, (2, E), 0, N, dtype=jnp.int32)
    scale = 1.0 / np.sqrt(D_IN)
    W_l = jax.random.normal(k3, (D_OUT, D_IN), dtype=jnp.float32) * scale
    W_r = jax.random.normal(k4, (D_OUT, D_IN), dtype=jnp.float32) * scale
    b = jax.random.normal(k5, (D_OUT,), dtype=jnp.float32) * 0.01
    return {"x": x, "edge_index": edge_index, "W_l": W_l, "W_r": W_r, "b": b}


def reference(x, edge_index, W_l, W_r, b):
    # SAGEConv with mean aggregation (PyG default), followed by ReLU.
    src = edge_index[0]
    dst = edge_index[1]
    msgs = jnp.take(x, src, axis=0)                      # gather: [E, D_IN]
    agg = jax.ops.segment_sum(msgs, dst, num_segments=N)  # scatter-add: [N, D_IN]
    cnt = jax.ops.segment_sum(jnp.ones((E,), dtype=jnp.float32), dst, num_segments=N)
    mean_agg = agg / jnp.clip(cnt, 1.0, None)[:, None]
    out = mean_agg @ W_l.T + x @ W_r.T + b
    return jax.nn.relu(out)

if __name__ == "__main__":
    import jax
    _d = setup_inputs()
    print(jax.jit(kernel)(*tuple(_d.values())))

</pallas_src>

<mosaic_0001>
#map = affine_map<(d0, d1) -> (0)>
#map1 = affine_map<(d0, d1) -> (0, 0)>
module attributes {stable_mosaic.version = 14 : i64} {
  func.func @k(%arg0: i32, %arg1: i32, %arg2: memref<323584xi32, #tpu.memory_space<hbm>>, %arg3: memref<323584xi32, #tpu.memory_space<hbm>>, %arg4: memref<10000x128xf32, #tpu.memory_space<hbm>>, %arg5: memref<10240xi32, #tpu.memory_space<hbm>>, %arg6: memref<2621440xf32, #tpu.memory_space<hbm>>, %arg7: memref<20480xf32, #tpu.memory_space<hbm>>, %arg8: memref<128xi32, #tpu.memory_space<vmem>>, %arg9: memref<128xi32, #tpu.memory_space<vmem>>, %arg10: memref<128xi32, #tpu.memory_space<vmem>>, %arg11: memref<128xi32, #tpu.memory_space<vmem>>, %arg12: memref<128x128xf32, #tpu.memory_space<vmem>>, %arg13: memref<128xf32, #tpu.memory_space<vmem>>, %arg14: memref<1310720xf32, #tpu.memory_space<vmem_shared>>, %arg15: memref<10240xf32, #tpu.memory_space<vmem_shared>>, %arg16: memref<!tpu.dma_semaphore, #tpu.memory_space<semaphore_mem>>) attributes {dimension_semantics = [#tpu.dimension_semantics<core_parallel>, #tpu.dimension_semantics<subcore_parallel>], iteration_bounds = array<i64: 2, 16>, scalar_prefetch = 0 : i64, scratch_operands = 9 : i64, tpu.core_type = #tpu.core_type<sc_vector_subcore>, window_params = [{transform_indices = #map}, {transform_indices = #map}, {transform_indices = #map1}, {transform_indices = #map}, {transform_indices = #map}, {transform_indices = #map}]} {
    %mul3A = arith.constant 2 : i32
    %mul3A_0 = arith.muli %arg1, %mul3A : i32
    %add3A = arith.addi %mul3A_0, %arg0 : i32
    "tpu.region"() ({
      %run_scoped3A = tpu.sem_alloc : memref<!tpu.dma_semaphore, #tpu.memory_space<semaphore_mem>>
      %dma_start3A = arith.constant 0 : i32
      %dma_start3A_56 = tpu.memref_slice %arg5[%dma_start3A] : memref<10240xi32, #tpu.memory_space<hbm>> -> memref<128xi32, #tpu.memory_space<hbm>>
      %dma_start3A_57 = arith.constant 0 : i32
      %dma_start3A_58 = tpu.memref_slice %arg5[%dma_start3A_57] : memref<10240xi32, #tpu.memory_space<hbm>> -> memref<128xi32, #tpu.memory_space<hbm>>
      tpu.enqueue_dma source(%dma_start3A_58 : memref<128xi32, #tpu.memory_space<hbm>>) target(%arg11 : memref<128xi32, #tpu.memory_space<vmem>>) target_semaphore(%run_scoped3A : memref<!tpu.dma_semaphore, #tpu.memory_space<semaphore_mem>>)
      %dma_wait3A = arith.constant 0 : i32
      %dma_wait3A_59 = tpu.memref_slice %arg5[%dma_wait3A] : memref<10240xi32, #tpu.memory_space<hbm>> -> memref<128xi32, #tpu.memory_space<hbm>>
      %dma_wait3A_60 = arith.constant 0 : i32
      %dma_wait3A_61 = tpu.memref_slice %arg5[%dma_wait3A_60] : memref<10240xi32, #tpu.memory_space<hbm>> -> memref<128xi32, #tpu.memory_space<hbm>>
      tpu.wait_dma2 semaphore(%run_scoped3A : memref<!tpu.dma_semaphore, #tpu.memory_space<semaphore_mem>>) src(%dma_wait3A_61 : memref<128xi32, #tpu.memory_space<hbm>>) dst(%arg11 : memref<128xi32, #tpu.memory_space<vmem>>)
      tpu.yield
    }) : () -> ()
    %broadcast_in_dim3A = arith.constant 0.000000e+00 : f32
    %broadcast_in_dim3A_1 = vector.broadcast %broadcast_in_dim3A : f32 to vector<16xf32>
    %scan3A = arith.constant 0 : i32
    %scan3A_2 = arith.constant 0 : i32
    %scan3A_3 = arith.constant 128 : i32
    %scan3A_4 = arith.addi %scan3A_2, %scan3A_3 : i32
    %scan3A_5 = arith.constant 1 : i32
    scf.for %scan3A_56 = %scan3A_2 to %scan3A_4 step %scan3A_5  : i32 {
      %scan3A_57 = arith.constant 0 : i32
      %scan3A_58 = arith.constant 0 : i32
      %scan3A_59 = arith.constant 8 : i32
      %scan3A_60 = arith.addi %scan3A_58, %scan3A_59 : i32
      %scan3A_61 = arith.constant 1 : i32
      scf.for %scan3A_63 = %scan3A_58 to %scan3A_60 step %scan3A_61  : i32 {
        %mul3A_64 = arith.constant 16 : i32
        %mul3A_65 = arith.muli %scan3A_63, %mul3A_64 : i32
        %swap3A = arith.index_cast %scan3A_56 : i32 to index
        %swap3A_66 = arith.index_cast %mul3A_65 : i32 to index
        %swap3A_67 = tpu.vector_load %arg12[%swap3A, %swap3A_66] {strides = array<i32>} : memref<128x128xf32, #tpu.memory_space<vmem>>, vector<1x16xf32>,
        %swap3A_68 = vector.shape_cast %swap3A_67 : vector<1x16xf32> to vector<16xf32>
        %swap3A_69 = vector.shape_cast %broadcast_in_dim3A_1 : vector<16xf32> to vector<1x16xf32>
        tpu.vector_store %arg12[%swap3A, %swap3A_66], %swap3A_69 {strides = array<i32>} : memref<128x128xf32, #tpu.memory_space<vmem>>, vector<1x16xf32>,
      }
      %scan3A_62 = arith.constant 8 : i32
    }
    %scan3A_6 = arith.constant 128 : i32
    %scan3A_7 = arith.constant 0 : i32
    %scan3A_8 = arith.constant 0 : i32
    %scan3A_9 = arith.constant 8 : i32
    %scan3A_10 = arith.addi %scan3A_8, %scan3A_9 : i32
    %scan3A_11 = arith.constant 1 : i32
    scf.for %scan3A_56 = %scan3A_8 to %scan3A_10 step %scan3A_11  : i32 {
      %mul3A_57 = arith.constant 16 : i32
      %mul3A_58 = arith.muli %scan3A_56, %mul3A_57 : i32
      %swap3A = arith.index_cast %mul3A_58 : i32 to index
      %swap3A_59 = tpu.vector_load %arg13[%swap3A] {strides = array<i32>} : memref<128xf32, #tpu.memory_space<vmem>>, vector<16xf32>,
      %swap3A_60 = vector.shape_cast %swap3A_59 : vector<16xf32> to vector<16xf32>
      %swap3A_61 = vector.shape_cast %broadcast_in_dim3A_1 : vector<16xf32> to vector<16xf32>
      tpu.vector_store %arg13[%swap3A], %swap3A_61 {strides = array<i32>} : memref<128xf32, #tpu.memory_space<vmem>>, vector<16xf32>,
    }
    %scan3A_12 = arith.constant 8 : i32
    %mul3A_13 = arith.constant 640 : i32
    %mul3A_14 = arith.muli %arg1, %mul3A_13 : i32
    %scan3A_15 = arith.constant 0 : i32
    %scan3A_16 = arith.constant 0 : i32
    %scan3A_17 = arith.constant 640 : i32
    %scan3A_18 = arith.addi %scan3A_16, %scan3A_17 : i32
    %scan3A_19 = arith.constant 1 : i32
    scf.for %scan3A_56 = %scan3A_16 to %scan3A_18 step %scan3A_19  : i32 {
      %add3A_57 = arith.addi %mul3A_14, %scan3A_56 : i32
      %mul3A_58 = arith.constant 128 : i32
      %mul3A_59 = arith.muli %add3A_57, %mul3A_58 : i32
      %scan3A_60 = arith.constant 0 : i32
      %scan3A_61 = arith.constant 0 : i32
      %scan3A_62 = arith.constant 8 : i32
      %scan3A_63 = arith.addi %scan3A_61, %scan3A_62 : i32
      %scan3A_64 = arith.constant 1 : i32
      scf.for %scan3A_66 = %scan3A_61 to %scan3A_63 step %scan3A_64  : i32 {
        %mul3A_67 = arith.constant 16 : i32
        %mul3A_68 = arith.muli %scan3A_66, %mul3A_67 : i32
        %get3A = arith.index_cast %mul3A_68 : i32 to index
        %get3A_69 = tpu.vector_load %arg11[%get3A] {strides = array<i32>} : memref<128xi32, #tpu.memory_space<vmem>>, vector<16xi32>,
        %get3A_70 = vector.shape_cast %get3A_69 : vector<16xi32> to vector<16xi32>
        %add3A_71 = vector.broadcast %mul3A_59 : i32 to vector<16xi32>
        %add3A_72 = arith.addi %add3A_71, %get3A_70 : vector<16xi32>
        %mul3A_73 = arith.constant 16 : i32
        %mul3A_74 = arith.muli %scan3A_66, %mul3A_73 : i32
        %swap3A = arith.index_cast %mul3A_74 : i32 to index
        %swap3A_75 = tpu.vector_load %arg10[%swap3A] {strides = array<i32>} : memref<128xi32, #tpu.memory_space<vmem>>, vector<16xi32>,
        %swap3A_76 = vector.shape_cast %swap3A_75 : vector<16xi32> to vector<16xi32>
        %swap3A_77 = vector.shape_cast %add3A_72 : vector<16xi32> to vector<16xi32>
        tpu.vector_store %arg10[%swap3A], %swap3A_77 {strides = array<i32>} : memref<128xi32, #tpu.memory_space<vmem>>, vector<16xi32>,
      }
      %scan3A_65 = arith.constant 8 : i32
      %run_scoped3A = arith.constant 0 : i32
      "tpu.region"() ({
        %run_scoped3A_66 = tpu.sem_alloc : memref<!tpu.dma_semaphore, #tpu.memory_space<semaphore_mem>>
        %dma_start3A = arith.constant 0 : i32
        %dma_start3A_67 = tpu.memref_slice %arg12[%run_scoped3A, %dma_start3A] : memref<128x128xf32, #tpu.memory_space<vmem>> -> memref<1x128xf32, #tpu.memory_space<vmem>>
        %dma_start3A_68 = tpu.memref_squeeze %dma_start3A_67 : memref<1x128xf32, #tpu.memory_space<vmem>> -> memref<128xf32, #tpu.memory_space<vmem>>
        %dma_start3A_69 = arith.constant 0 : i32
        %dma_start3A_70 = tpu.memref_slice %arg14[%dma_start3A_69] : memref<1310720xf32, #tpu.memory_space<vmem_shared>> -> memref<1310720xf32, #tpu.memory_space<vmem_shared>>
        tpu.enqueue_indirect_dma source(%dma_start3A_68 : memref<128xf32, #tpu.memory_space<vmem>>) target(%dma_start3A_70 : memref<1310720xf32, #tpu.memory_space<vmem_shared>>) offsets(%arg10 : memref<128xi32, #tpu.memory_space<vmem>>) semaphore(%run_scoped3A_66 : memref<!tpu.dma_semaphore, #tpu.memory_space<semaphore_mem>>)
        %dma_wait3A = arith.constant 0 : i32
        %dma_wait3A_71 = tpu.memref_slice %arg12[%run_scoped3A, %dma_wait3A] : memref<128x128xf32, #tpu.memory_space<vmem>> -> memref<1x128xf32, #tpu.memory_space<vmem>>
        %dma_wait3A_72 = tpu.memref_squeeze %dma_wait3A_71 : memref<1x128xf32, #tpu.memory_space<vmem>> -> memref<128xf32, #tpu.memory_space<vmem>>
        %dma_wait3A_73 = arith.constant 0 : i32
        %dma_wait3A_74 = tpu.memref_slice %arg14[%dma_wait3A_73] : memref<1310720xf32, #tpu.memory_space<vmem_shared>> -> memref<1310720xf32, #tpu.memory_space<vmem_shared>>
        tpu.wait_indirect_dma semaphore(%run_scoped3A_66 : memref<!tpu.dma_semaphore, #tpu.memory_space<semaphore_mem>>) src(%dma_wait3A_72 : memref<128xf32, #tpu.memory_space<vmem>>) dst(%dma_wait3A_74 : memref<1310720xf32, #tpu.memory_space<vmem_shared>>)
        tpu.yield
      }) : () -> ()
    }
    %scan3A_20 = arith.constant 640 : i32
    %scan3A_21 = arith.constant 0 : i32
    %scan3A_22 = arith.constant 0 : i32
    %scan3A_23 = arith.constant 5 : i32
    %scan3A_24 = arith.addi %scan3A_22, %scan3A_23 : i32
    %scan3A_25 = arith.constant 1 : i32
    scf.for %scan3A_56 = %scan3A_22 to %scan3A_24 step %scan3A_25  : i32 {
      %mul3A_57 = arith.constant 128 : i32
      %mul3A_58 = arith.muli %scan3A_56, %mul3A_57 : i32
      %add3A_59 = arith.addi %mul3A_14, %mul3A_58 : i32
      "tpu.region"() ({
        %run_scoped3A = tpu.sem_alloc : memref<!tpu.dma_semaphore, #tpu.memory_space<semaphore_mem>>
        %dma_start3A = tpu.memref_slice %arg5[%add3A_59] : memref<10240xi32, #tpu.memory_space<hbm>> -> memref<128xi32, #tpu.memory_space<hbm>>
        %dma_start3A_60 = tpu.memref_slice %arg5[%add3A_59] : memref<10240xi32, #tpu.memory_space<hbm>> -> memref<128xi32, #tpu.memory_space<hbm>>
        tpu.enqueue_dma source(%dma_start3A_60 : memref<128xi32, #tpu.memory_space<hbm>>) target(%arg9 : memref<128xi32, #tpu.memory_space<vmem>>) target_semaphore(%run_scoped3A : memref<!tpu.dma_semaphore, #tpu.memory_space<semaphore_mem>>)
        %dma_wait3A = tpu.memref_slice %arg5[%add3A_59] : memref<10240xi32, #tpu.memory_space<hbm>> -> memref<128xi32, #tpu.memory_space<hbm>>
        %dma_wait3A_61 = tpu.memref_slice %arg5[%add3A_59] : memref<10240xi32, #tpu.memory_space<hbm>> -> memref<128xi32, #tpu.memory_space<hbm>>
        tpu.wait_dma2 semaphore(%run_scoped3A : memref<!tpu.dma_semaphore, #tpu.memory_space<semaphore_mem>>) src(%dma_wait3A_61 : memref<128xi32, #tpu.memory_space<hbm>>) dst(%arg9 : memref<128xi32, #tpu.memory_space<vmem>>)
        tpu.yield
      }) : () -> ()
      "tpu.region"() ({
        %run_scoped3A = tpu.sem_alloc : memref<!tpu.dma_semaphore, #tpu.memory_space<semaphore_mem>>
        %dma_start3A = arith.constant 0 : i32
        %dma_start3A_60 = tpu.memref_slice %arg15[%dma_start3A] : memref<10240xf32, #tpu.memory_space<vmem_shared>> -> memref<10240xf32, #tpu.memory_space<vmem_shared>>
        tpu.enqueue_indirect_dma source(%arg13 : memref<128xf32, #tpu.memory_space<vmem>>) target(%dma_start3A_60 : memref<10240xf32, #tpu.memory_space<vmem_shared>>) offsets(%arg9 : memref<128xi32, #tpu.memory_space<vmem>>) semaphore(%run_scoped3A : memref<!tpu.dma_semaphore, #tpu.memory_space<semaphore_mem>>)
        %dma_wait3A = arith.constant 0 : i32
        %dma_wait3A_61 = tpu.memref_slice %arg15[%dma_wait3A] : memref<10240xf32, #tpu.memory_space<vmem_shared>> -> memref<10240xf32, #tpu.memory_space<vmem_shared>>
        tpu.wait_indirect_dma semaphore(%run_scoped3A : memref<!tpu.dma_semaphore, #tpu.memory_space<semaphore_mem>>) src(%arg13 : memref<128xf32, #tpu.memory_space<vmem>>) dst(%dma_wait3A_61 : memref<10240xf32, #tpu.memory_space<vmem_shared>>)
        tpu.yield
      }) : () -> ()
    }
    %scan3A_26 = arith.constant 5 : i32
    %broadcast_in_dim3A_27 = arith.constant 1.000000e+00 : f32
    %broadcast_in_dim3A_28 = vector.broadcast %broadcast_in_dim3A_27 : f32 to vector<16xf32>
    %scan3A_29 = arith.constant 0 : i32
    %scan3A_30 = arith.constant 0 : i32
    %scan3A_31 = arith.constant 8 : i32
    %scan3A_32 = arith.addi %scan3A_30, %scan3A_31 : i32
    %scan3A_33 = arith.constant 1 : i32
    scf.for %scan3A_56 = %scan3A_30 to %scan3A_32 step %scan3A_33  : i32 {
      %mul3A_57 = arith.constant 16 : i32
      %mul3A_58 = arith.muli %scan3A_56, %mul3A_57 : i32
      %swap3A = arith.index_cast %mul3A_58 : i32 to index
      %swap3A_59 = tpu.vector_load %arg13[%swap3A] {strides = array<i32>} : memref<128xf32, #tpu.memory_space<vmem>>, vector<16xf32>,
      %swap3A_60 = vector.shape_cast %swap3A_59 : vector<16xf32> to vector<16xf32>
      %swap3A_61 = vector.shape_cast %broadcast_in_dim3A_28 : vector<16xf32> to vector<16xf32>
      tpu.vector_store %arg13[%swap3A], %swap3A_61 {strides = array<i32>} : memref<128xf32, #tpu.memory_space<vmem>>, vector<16xf32>,
    }
    %scan3A_34 = arith.constant 8 : i32
    %barrier3A = arith.constant 0 : index
    tpu.barrier barrier_id(%barrier3A)
    %mul3A_35 = arith.constant 10112 : i32
    %mul3A_36 = arith.muli %add3A, %mul3A_35 : i32
    %scan3A_37 = arith.constant 0 : i32
    %scan3A_38 = arith.constant 0 : i32
    %scan3A_39 = arith.constant 79 : i32
    %scan3A_40 = arith.addi %scan3A_38, %scan3A_39 : i32
    %scan3A_41 = arith.constant 1 : i32
    scf.for %scan3A_56 = %scan3A_38 to %scan3A_40 step %scan3A_41  : i32 {
      %mul3A_57 = arith.constant 128 : i32
      %mul3A_58 = arith.muli %scan3A_56, %mul3A_57 : i32
      %add3A_59 = arith.addi %mul3A_36, %mul3A_58 : i32
      "tpu.region"() ({
        %run_scoped3A = tpu.sem_alloc : memref<!tpu.dma_semaphore, #tpu.memory_space<semaphore_mem>>
        %dma_start3A_70 = tpu.memref_slice %arg2[%add3A_59] : memref<323584xi32, #tpu.memory_space<hbm>> -> memref<128xi32, #tpu.memory_space<hbm>>
        %dma_start3A_71 = tpu.memref_slice %arg2[%add3A_59] : memref<323584xi32, #tpu.memory_space<hbm>> -> memref<128xi32, #tpu.memory_space<hbm>>
        tpu.enqueue_dma source(%dma_start3A_71 : memref<128xi32, #tpu.memory_space<hbm>>) target(%arg8 : memref<128xi32, #tpu.memory_space<vmem>>) target_semaphore(%run_scoped3A : memref<!tpu.dma_semaphore, #tpu.memory_space<semaphore_mem>>)
        %dma_wait3A_72 = tpu.memref_slice %arg2[%add3A_59] : memref<323584xi32, #tpu.memory_space<hbm>> -> memref<128xi32, #tpu.memory_space<hbm>>
        %dma_wait3A_73 = tpu.memref_slice %arg2[%add3A_59] : memref<323584xi32, #tpu.memory_space<hbm>> -> memref<128xi32, #tpu.memory_space<hbm>>
        tpu.wait_dma2 semaphore(%run_scoped3A : memref<!tpu.dma_semaphore, #tpu.memory_space<semaphore_mem>>) src(%dma_wait3A_73 : memref<128xi32, #tpu.memory_space<hbm>>) dst(%arg8 : memref<128xi32, #tpu.memory_space<vmem>>)
        tpu.yield
      }) : () -> ()
      "tpu.region"() ({
        %run_scoped3A = tpu.sem_alloc : memref<!tpu.dma_semaphore, #tpu.memory_space<semaphore_mem>>
        %dma_start3A_70 = tpu.memref_slice %arg3[%add3A_59] : memref<323584xi32, #tpu.memory_space<hbm>> -> memref<128xi32, #tpu.memory_space<hbm>>
        %dma_start3A_71 = tpu.memref_slice %arg3[%add3A_59] : memref<323584xi32, #tpu.memory_space<hbm>> -> memref<128xi32, #tpu.memory_space<hbm>>
        tpu.enqueue_dma source(%dma_start3A_71 : memref<128xi32, #tpu.memory_space<hbm>>) target(%arg9 : memref<128xi32, #tpu.memory_space<vmem>>) target_semaphore(%run_scoped3A : memref<!tpu.dma_semaphore, #tpu.memory_space<semaphore_mem>>)
        %dma_wait3A_72 = tpu.memref_slice %arg3[%add3A_59] : memref<323584xi32, #tpu.memory_space<hbm>> -> memref<128xi32, #tpu.memory_space<hbm>>
        %dma_wait3A_73 = tpu.memref_slice %arg3[%add3A_59] : memref<323584xi32, #tpu.memory_space<hbm>> -> memref<128xi32, #tpu.memory_space<hbm>>
        tpu.wait_dma2 semaphore(%run_scoped3A : memref<!tpu.dma_semaphore, #tpu.memory_space<semaphore_mem>>) src(%dma_wait3A_73 : memref<128xi32, #tpu.memory_space<hbm>>) dst(%arg9 : memref<128xi32, #tpu.memory_space<vmem>>)
        tpu.yield
      }) : () -> ()
      %dma_start3A = arith.constant 0 : i32
      %dma_start3A_60 = arith.constant 0 : i32
      %dma_start3A_61 = tpu.memref_slice %arg4[%dma_start3A, %dma_start3A_60] : memref<10000x128xf32, #tpu.memory_space<hbm>> -> memref<10000x128xf32, #tpu.memory_space<hbm>>
      tpu.enqueue_indirect_dma source(%dma_start3A_61 : memref<10000x128xf32, #tpu.memory_space<hbm>>) target(%arg12 : memref<128x128xf32, #tpu.memory_space<vmem>>) offsets(%arg8 : memref<128xi32, #tpu.memory_space<vmem>>) semaphore(%arg16 : memref<!tpu.dma_semaphore, #tpu.memory_space<semaphore_mem>>)
      %dma_wait3A = arith.constant 0 : i32
      %dma_wait3A_62 = arith.constant 0 : i32
      %dma_wait3A_63 = tpu.memref_slice %arg4[%dma_wait3A, %dma_wait3A_62] : memref<10000x128xf32, #tpu.memory_space<hbm>> -> memref<10000x128xf32, #tpu.memory_space<hbm>>
      tpu.wait_indirect_dma semaphore(%arg16 : memref<!tpu.dma_semaphore, #tpu.memory_space<semaphore_mem>>) src(%dma_wait3A_63 : memref<10000x128xf32, #tpu.memory_space<hbm>>) dst(%arg12 : memref<128x128xf32, #tpu.memory_space<vmem>>)
      "tpu.region"() ({
        %run_scoped3A = tpu.sem_alloc : memref<!tpu.dma_semaphore, #tpu.memory_space<semaphore_mem>>
        %dma_start3A_70 = arith.constant 0 : i32
        %dma_start3A_71 = tpu.memref_slice %arg15[%dma_start3A_70] : memref<10240xf32, #tpu.memory_space<vmem_shared>> -> memref<10240xf32, #tpu.memory_space<vmem_shared>>
        tpu.enqueue_indirect_dma source(%arg13 : memref<128xf32, #tpu.memory_space<vmem>>) target(%dma_start3A_71 : memref<10240xf32, #tpu.memory_space<vmem_shared>>) offsets(%arg9 : memref<128xi32, #tpu.memory_space<vmem>>) semaphore(%run_scoped3A : memref<!tpu.dma_semaphore, #tpu.memory_space<semaphore_mem>>) {add = true}
        %dma_wait3A_72 = arith.constant 0 : i32
        %dma_wait3A_73 = tpu.memref_slice %arg15[%dma_wait3A_72] : memref<10240xf32, #tpu.memory_space<vmem_shared>> -> memref<10240xf32, #tpu.memory_space<vmem_shared>>
        tpu.wait_indirect_dma semaphore(%run_scoped3A : memref<!tpu.dma_semaphore, #tpu.memory_space<semaphore_mem>>) src(%arg13 : memref<128xf32, #tpu.memory_space<vmem>>) dst(%dma_wait3A_73 : memref<10240xf32, #tpu.memory_space<vmem_shared>>)
        tpu.yield
      }) : () -> ()
      %scan3A_64 = arith.constant 0 : i32
      %scan3A_65 = arith.constant 0 : i32
      %scan3A_66 = arith.constant 8 : i32
      %scan3A_67 = arith.addi %scan3A_65, %scan3A_66 : i32
      %scan3A_68 = arith.constant 1 : i32
      scf.for %scan3A_70 = %scan3A_65 to %scan3A_67 step %scan3A_68  : i32 {
        %mul3A_71 = arith.constant 16 : i32
        %mul3A_72 = arith.muli %scan3A_70, %mul3A_71 : i32
        %get3A = arith.index_cast %mul3A_72 : i32 to index
        %get3A_73 = tpu.vector_load %arg9[%get3A] {strides = array<i32>} : memref<128xi32, #tpu.memory_space<vmem>>, vector<16xi32>,
        %get3A_74 = vector.shape_cast %get3A_73 : vector<16xi32> to vector<16xi32>
        %slice3A = vector.extract_strided_slice %get3A_74 {offsets = [0], sizes = [1], strides = [1]} : vector<16xi32> to vector<1xi32>
        %squeeze3A = vector.extract %slice3A[0] : i32 from vector<1xi32>
        %mul3A_75 = arith.constant 128 : i32
        %mul3A_76 = arith.muli %squeeze3A, %mul3A_75 : i32
        %scan3A_77 = arith.constant 0 : i32
        %scan3A_78 = arith.constant 0 : i32
        %scan3A_79 = arith.constant 8 : i32
        %scan3A_80 = arith.addi %scan3A_78, %scan3A_79 : i32
        %scan3A_81 = arith.constant 1 : i32
        scf.for %scan3A_297 = %scan3A_78 to %scan3A_80 step %scan3A_81  : i32 {
          %mul3A_298 = arith.constant 16 : i32
          %mul3A_299 = arith.muli %scan3A_297, %mul3A_298 : i32
          %get3A_300 = arith.index_cast %mul3A_299 : i32 to index
          %get3A_301 = tpu.vector_load %arg11[%get3A_300] {strides = array<i32>} : memref<128xi32, #tpu.memory_space<vmem>>, vector<16xi32>,
          %get3A_302 = vector.shape_cast %get3A_301 : vector<16xi32> to vector<16xi32>
          %add3A_303 = vector.broadcast %mul3A_76 : i32 to vector<16xi32>
          %add3A_304 = arith.addi %add3A_303, %get3A_302 : vector<16xi32>
          %mul3A_305 = arith.constant 16 : i32
          %mul3A_306 = arith.muli %scan3A_297, %mul3A_305 : i32
          %swap3A = arith.index_cast %mul3A_306 : i32 to index
          %swap3A_307 = tpu.vector_load %arg10[%swap3A] {strides = array<i32>} : memref<128xi32, #tpu.memory_space<vmem>>, vector<16xi32>,
          %swap3A_308 = vector.shape_cast %swap3A_307 : vector<16xi32> to vector<16xi32>
          %swap3A_309 = vector.shape_cast %add3A_304 : vector<16xi32> to vector<16xi32>
          tpu.vector_store %arg10[%swap3A], %swap3A_309 {strides = array<i32>} : memref<128xi32, #tpu.memory_space<vmem>>, vector<16xi32>,
        }
        %scan3A_82 = arith.constant 8 : i32
        %mul3A_83 = arith.constant 16 : i32
        %mul3A_84 = arith.muli %scan3A_70, %mul3A_83 : i32
        %add3A_85 = arith.constant 0 : i32
        %add3A_86 = arith.addi %mul3A_84, %add3A_85 : i32
        "tpu.region"() ({
          %run_scoped3A = tpu.sem_alloc : memref<!tpu.dma_semaphore, #tpu.memory_space<semaphore_mem>>
          %dma_start3A_297 = arith.constant 0 : i32
          %dma_start3A_298 = tpu.memref_slice %arg12[%add3A_86, %dma_start3A_297] : memref<128x128xf32, #tpu.memory_space<vmem>> -> memref<1x128xf32, #tpu.memory_space<vmem>>
          %dma_start3A_299 = tpu.memref_squeeze %dma_start3A_298 : memref<1x128xf32, #tpu.memory_space<vmem>> -> memref<128xf32, #tpu.memory_space<vmem>>
          %dma_start3A_300 = arith.constant 0 : i32
          %dma_start3A_301 = tpu.memref_slice %arg14[%dma_start3A_300] : memref<1310720xf32, #tpu.memory_space<vmem_shared>> -> memref<1310720xf32, #tpu.memory_space<vmem_shared>>
          tpu.enqueue_indirect_dma source(%dma_start3A_299 : memref<128xf32, #tpu.memory_space<vmem>>) target(%dma_start3A_301 : memref<1310720xf32, #tpu.memory_space<vmem_shared>>) offsets(%arg10 : memref<128xi32, #tpu.memory_space<vmem>>) semaphore(%run_scoped3A : memref<!tpu.dma_semaphore, #tpu.memory_space<semaphore_mem>>) {add = true}
          %dma_wait3A_302 = arith.constant 0 : i32
          %dma_wait3A_303 = tpu.memref_slice %arg12[%add3A_86, %dma_wait3A_302] : memref<128x128xf32, #tpu.memory_space<vmem>> -> memref<1x128xf32, #tpu.memory_space<vmem>>
          %dma_wait3A_304 = tpu.memref_squeeze %dma_wait3A_303 : memref<1x128xf32, #tpu.memory_space<vmem>> -> memref<128xf32, #tpu.memory_space<vmem>>
          %dma_wait3A_305 = arith.constant 0 : i32
          %dma_wait3A_306 = tpu.memref_slice %arg14[%dma_wait3A_305] : memref<1310720xf32, #tpu.memory_space<vmem_shared>> -> memref<1310720xf32, #tpu.memory_space<vmem_shared>>
          tpu.wait_indirect_dma semaphore(%run_scoped3A : memref<!tpu.dma_semaphore, #tpu.memory_space<semaphore_mem>>) src(%dma_wait3A_304 : memref<128xf32, #tpu.memory_space<vmem>>) dst(%dma_wait3A_306 : memref<1310720xf32, #tpu.memory_space<vmem_shared>>)
          tpu.yield
        }) : () -> ()
        %slice3A_87 = vector.extract_strided_slice %get3A_74 {offsets = [1], sizes = [1], strides = [1]} : vector<16xi32> to vector<1xi32>
        %squeeze3A_88 = vector.extract %slice3A_87[0] : i32 from vector<1xi32>
        %mul3A_89 = arith.constant 128 : i32
        %mul3A_90 = arith.muli %squeeze3A_88, %mul3A_89 : i32
        %scan3A_91 = arith.constant 0 : i32
        %scan3A_92 = arith.constant 0 : i32
        %scan3A_93 = arith.constant 8 : i32
        %scan3A_94 = arith.addi %scan3A_92, %scan3A_93 : i32
        %scan3A_95 = arith.constant 1 : i32
        scf.for %scan3A_297 = %scan3A_92 to %scan3A_94 step %scan3A_95  : i32 {
          %mul3A_298 = arith.constant 16 : i32
          %mul3A_299 = arith.muli %scan3A_297, %mul3A_298 : i32
          %get3A_300 = arith.index_cast %mul3A_299 : i32 to index
          %get3A_301 = tpu.vector_load %arg11[%get3A_300] {strides = array<i32>} : memref<128xi32, #tpu.memory_space<vmem>>, vector<16xi32>,
          %get3A_302 = vector.shape_cast %get3A_301 : vector<16xi32> to vector<16xi32>
          %add3A_303 = vector.broadcast %mul3A_90 : i32 to vector<16xi32>
          %add3A_304 = arith.addi %add3A_303, %get3A_302 : vector<16xi32>
          %mul3A_305 = arith.constant 16 : i32
          %mul3A_306 = arith.muli %scan3A_297, %mul3A_305 : i32
          %swap3A = arith.index_cast %mul3A_306 : i32 to index
          %swap3A_307 = tpu.vector_load %arg10[%swap3A] {strides = array<i32>} : memref<128xi32, #tpu.memory_space<vmem>>, vector<16xi32>,
          %swap3A_308 = vector.shape_cast %swap3A_307 : vector<16xi32> to vector<16xi32>
          %swap3A_309 = vector.shape_cast %add3A_304 : vector<16xi32> to vector<16xi32>
          tpu.vector_store %arg10[%swap3A], %swap3A_309 {strides = array<i32>} : memref<128xi32, #tpu.memory_space<vmem>>, vector<16xi32>,
        }
        %scan3A_96 = arith.constant 8 : i32
        %mul3A_97 = arith.constant 16 : i32
        %mul3A_98 = arith.muli %scan3A_70, %mul3A_97 : i32
        %add3A_99 = arith.constant 1 : i32
        %add3A_100 = arith.addi %mul3A_98, %add3A_99 : i32
        "tpu.region"() ({
          %run_scoped3A = tpu.sem_alloc : memref<!tpu.dma_semaphore, #tpu.memory_space<semaphore_mem>>
          %dma_start3A_297 = arith.constant 0 : i32
          %dma_start3A_298 = tpu.memref_slice %arg12[%add3A_100, %dma_start3A_297] : memref<128x128xf32, #tpu.memory_space<vmem>> -> memref<1x128xf32, #tpu.memory_space<vmem>>
          %dma_start3A_299 = tpu.memref_squeeze %dma_start3A_298 : memref<1x128xf32, #tpu.memory_space<vmem>> -> memref<128xf32, #tpu.memory_space<vmem>>
          %dma_start3A_300 = arith.constant 0 : i32
          %dma_start3A_301 = tpu.memref_slice %arg14[%dma_start3A_300] : memref<1310720xf32, #tpu.memory_space<vmem_shared>> -> memref<1310720xf32, #tpu.memory_space<vmem_shared>>
          tpu.enqueue_indirect_dma source(%dma_start3A_299 : memref<128xf32, #tpu.memory_space<vmem>>) target(%dma_start3A_301 : memref<1310720xf32, #tpu.memory_space<vmem_shared>>) offsets(%arg10 : memref<128xi32, #tpu.memory_space<vmem>>) semaphore(%run_scoped3A : memref<!tpu.dma_semaphore, #tpu.memory_space<semaphore_mem>>) {add = true}
          %dma_wait3A_302 = arith.constant 0 : i32
          %dma_wait3A_303 = tpu.memref_slice %arg12[%add3A_100, %dma_wait3A_302] : memref<128x128xf32, #tpu.memory_space<vmem>> -> memref<1x128xf32, #tpu.memory_space<vmem>>
          %dma_wait3A_304 = tpu.memref_squeeze %dma_wait3A_303 : memref<1x128xf32, #tpu.memory_space<vmem>> -> memref<128xf32, #tpu.memory_space<vmem>>
          %dma_wait3A_305 = arith.constant 0 : i32
          %dma_wait3A_306 = tpu.memref_slice %arg14[%dma_wait3A_305] : memref<1310720xf32, #tpu.memory_space<vmem_shared>> -> memref<1310720xf32, #tpu.memory_space<vmem_shared>>
          tpu.wait_indirect_dma semaphore(%run_scoped3A : memref<!tpu.dma_semaphore, #tpu.memory_space<semaphore_mem>>) src(%dma_wait3A_304 : memref<128xf32, #tpu.memory_space<vmem>>) dst(%dma_wait3A_306 : memref<1310720xf32, #tpu.memory_space<vmem_shared>>)
          tpu.yield
        }) : () -> ()
        %slice3A_101 = vector.extract_strided_slice %get3A_74 {offsets = [2], sizes = [1], strides = [1]} : vector<16xi32> to vector<1xi32>
        %squeeze3A_102 = vector.extract %slice3A_101[0] : i32 from vector<1xi32>
        %mul3A_103 = arith.constant 128 : i32
        %mul3A_104 = arith.muli %squeeze3A_102, %mul3A_103 : i32
        %scan3A_105 = arith.constant 0 : i32
        %scan3A_106 = arith.constant 0 : i32
        %scan3A_107 = arith.constant 8 : i32
        %scan3A_108 = arith.addi %scan3A_106, %scan3A_107 : i32
        %scan3A_109 = arith.constant 1 : i32
        scf.for %scan3A_297 = %scan3A_106 to %scan3A_108 step %scan3A_109  : i32 {
          %mul3A_298 = arith.constant 16 : i32
          %mul3A_299 = arith.muli %scan3A_297, %mul3A_298 : i32
          %get3A_300 = arith.index_cast %mul3A_299 : i32 to index
          %get3A_301 = tpu.vector_load %arg11[%get3A_300] {strides = array<i32>} : memref<128xi32, #tpu.memory_space<vmem>>, vector<16xi32>,
          %get3A_302 = vector.shape_cast %get3A_301 : vector<16xi32> to vector<16xi32>
          %add3A_303 = vector.broadcast %mul3A_104 : i32 to vector<16xi32>
          %add3A_304 = arith.addi %add3A_303, %get3A_302 : vector<16xi32>
          %mul3A_305 = arith.constant 16 : i32
          %mul3A_306 = arith.muli %scan3A_297, %mul3A_305 : i32
          %swap3A = arith.index_cast %mul3A_306 : i32 to index
          %swap3A_307 = tpu.vector_load %arg10[%swap3A] {strides = array<i32>} : memref<128xi32, #tpu.memory_space<vmem>>, vector<16xi32>,
          %swap3A_308 = vector.shape_cast %swap3A_307 : vector<16xi32> to vector<16xi32>
          %swap3A_309 = vector.shape_cast %add3A_304 : vector<16xi32> to vector<16xi32>
          tpu.vector_store %arg10[%swap3A], %swap3A_309 {strides = array<i32>} : memref<128xi32, #tpu.memory_space<vmem>>, vector<16xi32>,
        }
        %scan3A_110 = arith.constant 8 : i32
        %mul3A_111 = arith.constant 16 : i32
        %mul3A_112 = arith.muli %scan3A_70, %mul3A_111 : i32
        %add3A_113 = arith.constant 2 : i32
        %add3A_114 = arith.addi %mul3A_112, %add3A_113 : i32
        "tpu.region"() ({
          %run_scoped3A = tpu.sem_alloc : memref<!tpu.dma_semaphore, #tpu.memory_space<semaphore_mem>>
          %dma_start3A_297 = arith.constant 0 : i32
          %dma_start3A_298 = tpu.memref_slice %arg12[%add3A_114, %dma_start3A_297] : memref<128x128xf32, #tpu.memory_space<vmem>> -> memref<1x128xf32, #tpu.memory_space<vmem>>
          %dma_start3A_299 = tpu.memref_squeeze %dma_start3A_298 : memref<1x128xf32, #tpu.memory_space<vmem>> -> memref<128xf32, #tpu.memory_space<vmem>>
          %dma_start3A_300 = arith.constant 0 : i32
          %dma_start3A_301 = tpu.memref_slice %arg14[%dma_start3A_300] : memref<1310720xf32, #tpu.memory_space<vmem_shared>> -> memref<1310720xf32, #tpu.memory_space<vmem_shared>>
          tpu.enqueue_indirect_dma source(%dma_start3A_299 : memref<128xf32, #tpu.memory_space<vmem>>) target(%dma_start3A_301 : memref<1310720xf32, #tpu.memory_space<vmem_shared>>) offsets(%arg10 : memref<128xi32, #tpu.memory_space<vmem>>) semaphore(%run_scoped3A : memref<!tpu.dma_semaphore, #tpu.memory_space<semaphore_mem>>) {add = true}
          %dma_wait3A_302 = arith.constant 0 : i32
          %dma_wait3A_303 = tpu.memref_slice %arg12[%add3A_114, %dma_wait3A_302] : memref<128x128xf32, #tpu.memory_space<vmem>> -> memref<1x128xf32, #tpu.memory_space<vmem>>
          %dma_wait3A_304 = tpu.memref_squeeze %dma_wait3A_303 : memref<1x128xf32, #tpu.memory_space<vmem>> -> memref<128xf32, #tpu.memory_space<vmem>>
          %dma_wait3A_305 = arith.constant 0 : i32
          %dma_wait3A_306 = tpu.memref_slice %arg14[%dma_wait3A_305] : memref<1310720xf32, #tpu.memory_space<vmem_shared>> -> memref<1310720xf32, #tpu.memory_space<vmem_shared>>
          tpu.wait_indirect_dma semaphore(%run_scoped3A : memref<!tpu.dma_semaphore, #tpu.memory_space<semaphore_mem>>) src(%dma_wait3A_304 : memref<128xf32, #tpu.memory_space<vmem>>) dst(%dma_wait3A_306 : memref<1310720xf32, #tpu.memory_space<vmem_shared>>)
          tpu.yield
        }) : () -> ()
        %slice3A_115 = vector.extract_strided_slice %get3A_74 {offsets = [3], sizes = [1], strides = [1]} : vector<16xi32> to vector<1xi32>
        %squeeze3A_116 = vector.extract %slice3A_115[0] : i32 from vector<1xi32>
        %mul3A_117 = arith.constant 128 : i32
        %mul3A_118 = arith.muli %squeeze3A_116, %mul3A_117 : i32
        %scan3A_119 = arith.constant 0 : i32
        %scan3A_120 = arith.constant 0 : i32
        %scan3A_121 = arith.constant 8 : i32
        %scan3A_122 = arith.addi %scan3A_120, %scan3A_121 : i32
        %scan3A_123 = arith.constant 1 : i32
        scf.for %scan3A_297 = %scan3A_120 to %scan3A_122 step %scan3A_123  : i32 {
          %mul3A_298 = arith.constant 16 : i32
          %mul3A_299 = arith.muli %scan3A_297, %mul3A_298 : i32
          %get3A_300 = arith.index_cast %mul3A_299 : i32 to index
          %get3A_301 = tpu.vector_load %arg11[%get3A_300] {strides = array<i32>} : memref<128xi32, #tpu.memory_space<vmem>>, vector<16xi32>,
          %get3A_302 = vector.shape_cast %get3A_301 : vector<16xi32> to vector<16xi32>
          %add3A_303 = vector.broadcast %mul3A_118 : i32 to vector<16xi32>
          %add3A_304 = arith.addi %add3A_303, %get3A_302 : vector<16xi32>
          %mul3A_305 = arith.constant 16 : i32
          %mul3A_306 = arith.muli %scan3A_297, %mul3A_305 : i32
          %swap3A = arith.index_cast %mul3A_306 : i32 to index
          %swap3A_307 = tpu.vector_load %arg10[%swap3A] {strides = array<i32>} : memref<128xi32, #tpu.memory_space<vmem>>, vector<16xi32>,
          %swap3A_308 = vector.shape_cast %swap3A_307 : vector<16xi32> to vector<16xi32>
          %swap3A_309 = vector.shape_cast %add3A_304 : vector<16xi32> to vector<16xi32>
          tpu.vector_store %arg10[%swap3A], %swap3A_309 {strides = array<i32>} : memref<128xi32, #tpu.memory_space<vmem>>, vector<16xi32>,
        }
        %scan3A_124 = arith.constant 8 : i32
        %mul3A_125 = arith.constant 16 : i32
        %mul3A_126 = arith.muli %scan3A_70, %mul3A_125 : i32
        %add3A_127 = arith.constant 3 : i32
        %add3A_128 = arith.addi %mul3A_126, %add3A_127 : i32
        "tpu.region"() ({
          %run_scoped3A = tpu.sem_alloc : memref<!tpu.dma_semaphore, #tpu.memory_space<semaphore_mem>>
          %dma_start3A_297 = arith.constant 0 : i32
          %dma_start3A_298 = tpu.memref_slice %arg12[%add3A_128, %dma_start3A_297] : memref<128x128xf32, #tpu.memory_space<vmem>> -> memref<1x128xf32, #tpu.memory_space<vmem>>
          %dma_start3A_299 = tpu.memref_squeeze %dma_start3A_298 : memref<1x128xf32, #tpu.memory_space<vmem>> -> memref<128xf32, #tpu.memory_space<vmem>>
          %dma_start3A_300 = arith.constant 0 : i32
          %dma_start3A_301 = tpu.memref_slice %arg14[%dma_start3A_300] : memref<1310720xf32, #tpu.memory_space<vmem_shared>> -> memref<1310720xf32, #tpu.memory_space<vmem_shared>>
          tpu.enqueue_indirect_dma source(%dma_start3A_299 : memref<128xf32, #tpu.memory_space<vmem>>) target(%dma_start3A_301 : memref<1310720xf32, #tpu.memory_space<vmem_shared>>) offsets(%arg10 : memref<128xi32, #tpu.memory_space<vmem>>) semaphore(%run_scoped3A : memref<!tpu.dma_semaphore, #tpu.memory_space<semaphore_mem>>) {add = true}
          %dma_wait3A_302 = arith.constant 0 : i32
          %dma_wait3A_303 = tpu.memref_slice %arg12[%add3A_128, %dma_wait3A_302] : memref<128x128xf32, #tpu.memory_space<vmem>> -> memref<1x128xf32, #tpu.memory_space<vmem>>
          %dma_wait3A_304 = tpu.memref_squeeze %dma_wait3A_303 : memref<1x128xf32, #tpu.memory_space<vmem>> -> memref<128xf32, #tpu.memory_space<vmem>>
          %dma_wait3A_305 = arith.constant 0 : i32
          %dma_wait3A_306 = tpu.memref_slice %arg14[%dma_wait3A_305] : memref<1310720xf32, #tpu.memory_space<vmem_shared>> -> memref<1310720xf32, #tpu.memory_space<vmem_shared>>
          tpu.wait_indirect_dma semaphore(%run_scoped3A : memref<!tpu.dma_semaphore, #tpu.memory_space<semaphore_mem>>) src(%dma_wait3A_304 : memref<128xf32, #tpu.memory_space<vmem>>) dst(%dma_wait3A_306 : memref<1310720xf32, #tpu.memory_space<vmem_shared>>)
          tpu.yield
        }) : () -> ()
        %slice3A_129 = vector.extract_strided_slice %get3A_74 {offsets = [4], sizes = [1], strides = [1]} : vector<16xi32> to vector<1xi32>
        %squeeze3A_130 = vector.extract %slice3A_129[0] : i32 from vector<1xi32>
        %mul3A_131 = arith.constant 128 : i32
        %mul3A_132 = arith.muli %squeeze3A_130, %mul3A_131 : i32
        %scan3A_133 = arith.constant 0 : i32
        %scan3A_134 = arith.constant 0 : i32
        %scan3A_135 = arith.constant 8 : i32
        %scan3A_136 = arith.addi %scan3A_134, %scan3A_135 : i32
        %scan3A_137 = arith.constant 1 : i32
        scf.for %scan3A_297 = %scan3A_134 to %scan3A_136 step %scan3A_137  : i32 {
          %mul3A_298 = arith.constant 16 : i32
          %mul3A_299 = arith.muli %scan3A_297, %mul3A_298 : i32
          %get3A_300 = arith.index_cast %mul3A_299 : i32 to index
          %get3A_301 = tpu.vector_load %arg11[%get3A_300] {strides = array<i32>} : memref<128xi32, #tpu.memory_space<vmem>>, vector<16xi32>,
          %get3A_302 = vector.shape_cast %get3A_301 : vector<16xi32> to vector<16xi32>
          %add3A_303 = vector.broadcast %mul3A_132 : i32 to vector<16xi32>
          %add3A_304 = arith.addi %add3A_303, %get3A_302 : vector<16xi32>
          %mul3A_305 = arith.constant 16 : i32
          %mul3A_306 = arith.muli %scan3A_297, %mul3A_305 : i32
          %swap3A = arith.index_cast %mul3A_306 : i32 to index
          %swap3A_307 = tpu.vector_load %arg10[%swap3A] {strides = array<i32>} : memref<128xi32, #tpu.memory_space<vmem>>, vector<16xi32>,
          %swap3A_308 = vector.shape_cast %swap3A_307 : vector<16xi32> to vector<16xi32>
          %swap3A_309 = vector.shape_cast %add3A_304 : vector<16xi32> to vector<16xi32>
          tpu.vector_store %arg10[%swap3A], %swap3A_309 {strides = array<i32>} : memref<128xi32, #tpu.memory_space<vmem>>, vector<16xi32>,
        }
        %scan3A_138 = arith.constant 8 : i32
        %mul3A_139 = arith.constant 16 : i32
        %mul3A_140 = arith.muli %scan3A_70, %mul3A_139 : i32
        %add3A_141 = arith.constant 4 : i32
        %add3A_142 = arith.addi %mul3A_140, %add3A_141 : i32
        "tpu.region"() ({
          %run_scoped3A = tpu.sem_alloc : memref<!tpu.dma_semaphore, #tpu.memory_space<semaphore_mem>>
          %dma_start3A_297 = arith.constant 0 : i32
          %dma_start3A_298 = tpu.memref_slice %arg12[%add3A_142, %dma_start3A_297] : memref<128x128xf32, #tpu.memory_space<vmem>> -> memref<1x128xf32, #tpu.memory_space<vmem>>
          %dma_start3A_299 = tpu.memref_squeeze %dma_start3A_298 : memref<1x128xf32, #tpu.memory_space<vmem>> -> memref<128xf32, #tpu.memory_space<vmem>>
          %dma_start3A_300 = arith.constant 0 : i32
          %dma_start3A_301 = tpu.memref_slice %arg14[%dma_start3A_300] : memref<1310720xf32, #tpu.memory_space<vmem_shared>> -> memref<1310720xf32, #tpu.memory_space<vmem_shared>>
          tpu.enqueue_indirect_dma source(%dma_start3A_299 : memref<128xf32, #tpu.memory_space<vmem>>) target(%dma_start3A_301 : memref<1310720xf32, #tpu.memory_space<vmem_shared>>) offsets(%arg10 : memref<128xi32, #tpu.memory_space<vmem>>) semaphore(%run_scoped3A : memref<!tpu.dma_semaphore, #tpu.memory_space<semaphore_mem>>) {add = true}
          %dma_wait3A_302 = arith.constant 0 : i32
          %dma_wait3A_303 = tpu.memref_slice %arg12[%add3A_142, %dma_wait3A_302] : memref<128x128xf32, #tpu.memory_space<vmem>> -> memref<1x128xf32, #tpu.memory_space<vmem>>
          %dma_wait3A_304 = tpu.memref_squeeze %dma_wait3A_303 : memref<1x128xf32, #tpu.memory_space<vmem>> -> memref<128xf32, #tpu.memory_space<vmem>>
          %dma_wait3A_305 = arith.constant 0 : i32
          %dma_wait3A_306 = tpu.memref_slice %arg14[%dma_wait3A_305] : memref<1310720xf32, #tpu.memory_space<vmem_shared>> -> memref<1310720xf32, #tpu.memory_space<vmem_shared>>
          tpu.wait_indirect_dma semaphore(%run_scoped3A : memref<!tpu.dma_semaphore, #tpu.memory_space<semaphore_mem>>) src(%dma_wait3A_304 : memref<128xf32, #tpu.memory_space<vmem>>) dst(%dma_wait3A_306 : memref<1310720xf32, #tpu.memory_space<vmem_shared>>)
          tpu.yield
        }) : () -> ()
        %slice3A_143 = vector.extract_strided_slice %get3A_74 {offsets = [5], sizes = [1], strides = [1]} : vector<16xi32> to vector<1xi32>
        %squeeze3A_144 = vector.extract %slice3A_143[0] : i32 from vector<1xi32>
        %mul3A_145 = arith.constant 128 : i32
        %mul3A_146 = arith.muli %squeeze3A_144, %mul3A_145 : i32
        %scan3A_147 = arith.constant 0 : i32
        %scan3A_148 = arith.constant 0 : i32
        %scan3A_149 = arith.constant 8 : i32
        %scan3A_150 = arith.addi %scan3A_148, %scan3A_149 : i32
        %scan3A_151 = arith.constant 1 : i32
        scf.for %scan3A_297 = %scan3A_148 to %scan3A_150 step %scan3A_151  : i32 {
          %mul3A_298 = arith.constant 16 : i32
          %mul3A_299 = arith.muli %scan3A_297, %mul3A_298 : i32
          %get3A_300 = arith.index_cast %mul3A_299 : i32 to index
          %get3A_301 = tpu.vector_load %arg11[%get3A_300] {strides = array<i32>} : memref<128xi32, #tpu.memory_space<vmem>>, vector<16xi32>,
          %get3A_302 = vector.shape_cast %get3A_301 : vector<16xi32> to vector<16xi32>
          %add3A_303 = vector.broadcast %mul3A_146 : i32 to vector<16xi32>
          %add3A_304 = arith.addi %add3A_303, %get3A_302 : vector<16xi32>
          %mul3A_305 = arith.constant 16 : i32
          %mul3A_306 = arith.muli %scan3A_297, %mul3A_305 : i32
          %swap3A = arith.index_cast %mul3A_306 : i32 to index
          %swap3A_307 = tpu.vector_load %arg10[%swap3A] {strides = array<i32>} : memref<128xi32, #tpu.memory_space<vmem>>, vector<16xi32>,
          %swap3A_308 = vector.shape_cast %swap3A_307 : vector<16xi32> to vector<16xi32>
          %swap3A_309 = vector.shape_cast %add3A_304 : vector<16xi32> to vector<16xi32>
          tpu.vector_store %arg10[%swap3A], %swap3A_309 {strides = array<i32>} : memref<128xi32, #tpu.memory_space<vmem>>, vector<16xi32>,
        }
        %scan3A_152 = arith.constant 8 : i32
        %mul3A_153 = arith.constant 16 : i32
        %mul3A_154 = arith.muli %scan3A_70, %mul3A_153 : i32
        %add3A_155 = arith.constant 5 : i32
        %add3A_156 = arith.addi %mul3A_154, %add3A_155 : i32
        "tpu.region"() ({
          %run_scoped3A = tpu.sem_alloc : memref<!tpu.dma_semaphore, #tpu.memory_space<semaphore_mem>>
          %dma_start3A_297 = arith.constant 0 : i32
          %dma_start3A_298 = tpu.memref_slice %arg12[%add3A_156, %dma_start3A_297] : memref<128x128xf32, #tpu.memory_space<vmem>> -> memref<1x128xf32, #tpu.memory_space<vmem>>
          %dma_start3A_299 = tpu.memref_squeeze %dma_start3A_298 : memref<1x128xf32, #tpu.memory_space<vmem>> -> memref<128xf32, #tpu.memory_space<vmem>>
          %dma_start3A_300 = arith.constant 0 : i32
          %dma_start3A_301 = tpu.memref_slice %arg14[%dma_start3A_300] : memref<1310720xf32, #tpu.memory_space<vmem_shared>> -> memref<1310720xf32, #tpu.memory_space<vmem_shared>>
          tpu.enqueue_indirect_dma source(%dma_start3A_299 : memref<128xf32, #tpu.memory_space<vmem>>) target(%dma_start3A_301 : memref<1310720xf32, #tpu.memory_space<vmem_shared>>) offsets(%arg10 : memref<128xi32, #tpu.memory_space<vmem>>) semaphore(%run_scoped3A : memref<!tpu.dma_semaphore, #tpu.memory_space<semaphore_mem>>) {add = true}
          %dma_wait3A_302 = arith.constant 0 : i32
          %dma_wait3A_303 = tpu.memref_slice %arg12[%add3A_156, %dma_wait3A_302] : memref<128x128xf32, #tpu.memory_space<vmem>> -> memref<1x128xf32, #tpu.memory_space<vmem>>
          %dma_wait3A_304 = tpu.memref_squeeze %dma_wait3A_303 : memref<1x128xf32, #tpu.memory_space<vmem>> -> memref<128xf32, #tpu.memory_space<vmem>>
          %dma_wait3A_305 = arith.constant 0 : i32
          %dma_wait3A_306 = tpu.memref_slice %arg14[%dma_wait3A_305] : memref<1310720xf32, #tpu.memory_space<vmem_shared>> -> memref<1310720xf32, #tpu.memory_space<vmem_shared>>
          tpu.wait_indirect_dma semaphore(%run_scoped3A : memref<!tpu.dma_semaphore, #tpu.memory_space<semaphore_mem>>) src(%dma_wait3A_304 : memref<128xf32, #tpu.memory_space<vmem>>) dst(%dma_wait3A_306 : memref<1310720xf32, #tpu.memory_space<vmem_shared>>)
          tpu.yield
        }) : () -> ()
        %slice3A_157 = vector.extract_strided_slice %get3A_74 {offsets = [6], sizes = [1], strides = [1]} : vector<16xi32> to vector<1xi32>
        %squeeze3A_158 = vector.extract %slice3A_157[0] : i32 from vector<1xi32>
        %mul3A_159 = arith.constant 128 : i32
        %mul3A_160 = arith.muli %squeeze3A_158, %mul3A_159 : i32
        %scan3A_161 = arith.constant 0 : i32
        %scan3A_162 = arith.constant 0 : i32
        %scan3A_163 = arith.constant 8 : i32
        %scan3A_164 = arith.addi %scan3A_162, %scan3A_163 : i32
        %scan3A_165 = arith.constant 1 : i32
        scf.for %scan3A_297 = %scan3A_162 to %scan3A_164 step %scan3A_165  : i32 {
          %mul3A_298 = arith.constant 16 : i32
          %mul3A_299 = arith.muli %scan3A_297, %mul3A_298 : i32
          %get3A_300 = arith.index_cast %mul3A_299 : i32 to index
          %get3A_301 = tpu.vector_load %arg11[%get3A_300] {strides = array<i32>} : memref<128xi32, #tpu.memory_space<vmem>>, vector<16xi32>,
          %get3A_302 = vector.shape_cast %get3A_301 : vector<16xi32> to vector<16xi32>
          %add3A_303 = vector.broadcast %mul3A_160 : i32 to vector<16xi32>
          %add3A_304 = arith.addi %add3A_303, %get3A_302 : vector<16xi32>
          %mul3A_305 = arith.constant 16 : i32
          %mul3A_306 = arith.muli %scan3A_297, %mul3A_305 : i32
          %swap3A = arith.index_cast %mul3A_306 : i32 to index
          %swap3A_307 = tpu.vector_load %arg10[%swap3A] {strides = array<i32>} : memref<128xi32, #tpu.memory_space<vmem>>, vector<16xi32>,
          %swap3A_308 = vector.shape_cast %swap3A_307 : vector<16xi32> to vector<16xi32>
          %swap3A_309 = vector.shape_cast %add3A_304 : vector<16xi32> to vector<16xi32>
          tpu.vector_store %arg10[%swap3A], %swap3A_309 {strides = array<i32>} : memref<128xi32, #tpu.memory_space<vmem>>, vector<16xi32>,
        }
        %scan3A_166 = arith.constant 8 : i32
        %mul3A_167 = arith.constant 16 : i32
        %mul3A_168 = arith.muli %scan3A_70, %mul3A_167 : i32
        %add3A_169 = arith.constant 6 : i32
        %add3A_170 = arith.addi %mul3A_168, %add3A_169 : i32
        "tpu.region"() ({
          %run_scoped3A = tpu.sem_alloc : memref<!tpu.dma_semaphore, #tpu.memory_space<semaphore_mem>>
          %dma_start3A_297 = arith.constant 0 : i32
          %dma_start3A_298 = tpu.memref_slice %arg12[%add3A_170, %dma_start3A_297] : memref<128x128xf32, #tpu.memory_space<vmem>> -> memref<1x128xf32, #tpu.memory_space<vmem>>
          %dma_start3A_299 = tpu.memref_squeeze %dma_start3A_298 : memref<1x128xf32, #tpu.memory_space<vmem>> -> memref<128xf32, #tpu.memory_space<vmem>>
          %dma_start3A_300 = arith.constant 0 : i32
          %dma_start3A_301 = tpu.memref_slice %arg14[%dma_start3A_300] : memref<1310720xf32, #tpu.memory_space<vmem_shared>> -> memref<1310720xf32, #tpu.memory_space<vmem_shared>>
          tpu.enqueue_indirect_dma source(%dma_start3A_299 : memref<128xf32, #tpu.memory_space<vmem>>) target(%dma_start3A_301 : memref<1310720xf32, #tpu.memory_space<vmem_shared>>) offsets(%arg10 : memref<128xi32, #tpu.memory_space<vmem>>) semaphore(%run_scoped3A : memref<!tpu.dma_semaphore, #tpu.memory_space<semaphore_mem>>) {add = true}
          %dma_wait3A_302 = arith.constant 0 : i32
          %dma_wait3A_303 = tpu.memref_slice %arg12[%add3A_170, %dma_wait3A_302] : memref<128x128xf32, #tpu.memory_space<vmem>> -> memref<1x128xf32, #tpu.memory_space<vmem>>
          %dma_wait3A_304 = tpu.memref_squeeze %dma_wait3A_303 : memref<1x128xf32, #tpu.memory_space<vmem>> -> memref<128xf32, #tpu.memory_space<vmem>>
          %dma_wait3A_305 = arith.constant 0 : i32
          %dma_wait3A_306 = tpu.memref_slice %arg14[%dma_wait3A_305] : memref<1310720xf32, #tpu.memory_space<vmem_shared>> -> memref<1310720xf32, #tpu.memory_space<vmem_shared>>
          tpu.wait_indirect_dma semaphore(%run_scoped3A : memref<!tpu.dma_semaphore, #tpu.memory_space<semaphore_mem>>) src(%dma_wait3A_304 : memref<128xf32, #tpu.memory_space<vmem>>) dst(%dma_wait3A_306 : memref<1310720xf32, #tpu.memory_space<vmem_shared>>)
          tpu.yield
        }) : () -> ()
        %slice3A_171 = vector.extract_strided_slice %get3A_74 {offsets = [7], sizes = [1], strides = [1]} : vector<16xi32> to vector<1xi32>
        %squeeze3A_172 = vector.extract %slice3A_171[0] : i32 from vector<1xi32>
        %mul3A_173 = arith.constant 128 : i32
        %mul3A_174 = arith.muli %squeeze3A_172, %mul3A_173 : i32
        %scan3A_175 = arith.constant 0 : i32
        %scan3A_176 = arith.constant 0 : i32
        %scan3A_177 = arith.constant 8 : i32
        %scan3A_178 = arith.addi %scan3A_176, %scan3A_177 : i32
        %scan3A_179 = arith.constant 1 : i32
        scf.for %scan3A_297 = %scan3A_176 to %scan3A_178 step %scan3A_179  : i32 {
          %mul3A_298 = arith.constant 16 : i32
          %mul3A_299 = arith.muli %scan3A_297, %mul3A_298 : i32
          %get3A_300 = arith.index_cast %mul3A_299 : i32 to index
          %get3A_301 = tpu.vector_load %arg11[%get3A_300] {strides = array<i32>} : memref<128xi32, #tpu.memory_space<vmem>>, vector<16xi32>,
          %get3A_302 = vector.shape_cast %get3A_301 : vector<16xi32> to vector<16xi32>
          %add3A_303 = vector.broadcast %mul3A_174 : i32 to vector<16xi32>
          %add3A_304 = arith.addi %add3A_303, %get3A_302 : vector<16xi32>
          %mul3A_305 = arith.constant 16 : i32
          %mul3A_306 = arith.muli %scan3A_297, %mul3A_305 : i32
          %swap3A = arith.index_cast %mul3A_306 : i32 to index
          %swap3A_307 = tpu.vector_load %arg10[%swap3A] {strides = array<i32>} : memref<128xi32, #tpu.memory_space<vmem>>, vector<16xi32>,
          %swap3A_308 = vector.shape_cast %swap3A_307 : vector<16xi32> to vector<16xi32>
          %swap3A_309 = vector.shape_cast %add3A_304 : vector<16xi32> to vector<16xi32>
          tpu.vector_store %arg10[%swap3A], %swap3A_309 {strides = array<i32>} : memref<128xi32, #tpu.memory_space<vmem>>, vector<16xi32>,
        }
        %scan3A_180 = arith.constant 8 : i32
        %mul3A_181 = arith.constant 16 : i32
        %mul3A_182 = arith.muli %scan3A_70, %mul3A_181 : i32
        %add3A_183 = arith.constant 7 : i32
        %add3A_184 = arith.addi %mul3A_182, %add3A_183 : i32
        "tpu.region"() ({
          %run_scoped3A = tpu.sem_alloc : memref<!tpu.dma_semaphore, #tpu.memory_space<semaphore_mem>>
          %dma_start3A_297 = arith.constant 0 : i32
          %dma_start3A_298 = tpu.memref_slice %arg12[%add3A_184, %dma_start3A_297] : memref<128x128xf32, #tpu.memory_space<vmem>> -> memref<1x128xf32, #tpu.memory_space<vmem>>
          %dma_start3A_299 = tpu.memref_squeeze %dma_start3A_298 : memref<1x128xf32, #tpu.memory_space<vmem>> -> memref<128xf32, #tpu.memory_space<vmem>>
          %dma_start3A_300 = arith.constant 0 : i32
          %dma_start3A_301 = tpu.memref_slice %arg14[%dma_start3A_300] : memref<1310720xf32, #tpu.memory_space<vmem_shared>> -> memref<1310720xf32, #tpu.memory_space<vmem_shared>>
          tpu.enqueue_indirect_dma source(%dma_start3A_299 : memref<128xf32, #tpu.memory_space<vmem>>) target(%dma_start3A_301 : memref<1310720xf32, #tpu.memory_space<vmem_shared>>) offsets(%arg10 : memref<128xi32, #tpu.memory_space<vmem>>) semaphore(%run_scoped3A : memref<!tpu.dma_semaphore, #tpu.memory_space<semaphore_mem>>) {add = true}
          %dma_wait3A_302 = arith.constant 0 : i32
          %dma_wait3A_303 = tpu.memref_slice %arg12[%add3A_184, %dma_wait3A_302] : memref<128x128xf32, #tpu.memory_space<vmem>> -> memref<1x128xf32, #tpu.memory_space<vmem>>
          %dma_wait3A_304 = tpu.memref_squeeze %dma_wait3A_303 : memref<1x128xf32, #tpu.memory_space<vmem>> -> memref<128xf32, #tpu.memory_space<vmem>>
          %dma_wait3A_305 = arith.constant 0 : i32
          %dma_wait3A_306 = tpu.memref_slice %arg14[%dma_wait3A_305] : memref<1310720xf32, #tpu.memory_space<vmem_shared>> -> memref<1310720xf32, #tpu.memory_space<vmem_shared>>
          tpu.wait_indirect_dma semaphore(%run_scoped3A : memref<!tpu.dma_semaphore, #tpu.memory_space<semaphore_mem>>) src(%dma_wait3A_304 : memref<128xf32, #tpu.memory_space<vmem>>) dst(%dma_wait3A_306 : memref<1310720xf32, #tpu.memory_space<vmem_shared>>)
          tpu.yield
        }) : () -> ()
        %slice3A_185 = vector.extract_strided_slice %get3A_74 {offsets = [8], sizes = [1], strides = [1]} : vector<16xi32> to vector<1xi32>
        %squeeze3A_186 = vector.extract %slice3A_185[0] : i32 from vector<1xi32>
        %mul3A_187 = arith.constant 128 : i32
        %mul3A_188 = arith.muli %squeeze3A_186, %mul3A_187 : i32
        %scan3A_189 = arith.constant 0 : i32
        %scan3A_190 = arith.constant 0 : i32
        %scan3A_191 = arith.constant 8 : i32
        %scan3A_192 = arith.addi %scan3A_190, %scan3A_191 : i32
        %scan3A_193 = arith.constant 1 : i32
        scf.for %scan3A_297 = %scan3A_190 to %scan3A_192 step %scan3A_193  : i32 {
          %mul3A_298 = arith.constant 16 : i32
          %mul3A_299 = arith.muli %scan3A_297, %mul3A_298 : i32
          %get3A_300 = arith.index_cast %mul3A_299 : i32 to index
          %get3A_301 = tpu.vector_load %arg11[%get3A_300] {strides = array<i32>} : memref<128xi32, #tpu.memory_space<vmem>>, vector<16xi32>,
          %get3A_302 = vector.shape_cast %get3A_301 : vector<16xi32> to vector<16xi32>
          %add3A_303 = vector.broadcast %mul3A_188 : i32 to vector<16xi32>
          %add3A_304 = arith.addi %add3A_303, %get3A_302 : vector<16xi32>
          %mul3A_305 = arith.constant 16 : i32
          %mul3A_306 = arith.muli %scan3A_297, %mul3A_305 : i32
          %swap3A = arith.index_cast %mul3A_306 : i32 to index
          %swap3A_307 = tpu.vector_load %arg10[%swap3A] {strides = array<i32>} : memref<128xi32, #tpu.memory_space<vmem>>, vector<16xi32>,
          %swap3A_308 = vector.shape_cast %swap3A_307 : vector<16xi32> to vector<16xi32>
          %swap3A_309 = vector.shape_cast %add3A_304 : vector<16xi32> to vector<16xi32>
          tpu.vector_store %arg10[%swap3A], %swap3A_309 {strides = array<i32>} : memref<128xi32, #tpu.memory_space<vmem>>, vector<16xi32>,
        }
        %scan3A_194 = arith.constant 8 : i32
        %mul3A_195 = arith.constant 16 : i32
        %mul3A_196 = arith.muli %scan3A_70, %mul3A_195 : i32
        %add3A_197 = arith.constant 8 : i32
        %add3A_198 = arith.addi %mul3A_196, %add3A_197 : i32
        "tpu.region"() ({
          %run_scoped3A = tpu.sem_alloc : memref<!tpu.dma_semaphore, #tpu.memory_space<semaphore_mem>>
          %dma_start3A_297 = arith.constant 0 : i32
          %dma_start3A_298 = tpu.memref_slice %arg12[%add3A_198, %dma_start3A_297] : memref<128x128xf32, #tpu.memory_space<vmem>> -> memref<1x128xf32, #tpu.memory_space<vmem>>
          %dma_start3A_299 = tpu.memref_squeeze %dma_start3A_298 : memref<1x128xf32, #tpu.memory_space<vmem>> -> memref<128xf32, #tpu.memory_space<vmem>>
          %dma_start3A_300 = arith.constant 0 : i32
          %dma_start3A_301 = tpu.memref_slice %arg14[%dma_start3A_300] : memref<1310720xf32, #tpu.memory_space<vmem_shared>> -> memref<1310720xf32, #tpu.memory_space<vmem_shared>>
          tpu.enqueue_indirect_dma source(%dma_start3A_299 : memref<128xf32, #tpu.memory_space<vmem>>) target(%dma_start3A_301 : memref<1310720xf32, #tpu.memory_space<vmem_shared>>) offsets(%arg10 : memref<128xi32, #tpu.memory_space<vmem>>) semaphore(%run_scoped3A : memref<!tpu.dma_semaphore, #tpu.memory_space<semaphore_mem>>) {add = true}
          %dma_wait3A_302 = arith.constant 0 : i32
          %dma_wait3A_303 = tpu.memref_slice %arg12[%add3A_198, %dma_wait3A_302] : memref<128x128xf32, #tpu.memory_space<vmem>> -> memref<1x128xf32, #tpu.memory_space<vmem>>
          %dma_wait3A_304 = tpu.memref_squeeze %dma_wait3A_303 : memref<1x128xf32, #tpu.memory_space<vmem>> -> memref<128xf32, #tpu.memory_space<vmem>>
          %dma_wait3A_305 = arith.constant 0 : i32
          %dma_wait3A_306 = tpu.memref_slice %arg14[%dma_wait3A_305] : memref<1310720xf32, #tpu.memory_space<vmem_shared>> -> memref<1310720xf32, #tpu.memory_space<vmem_shared>>
          tpu.wait_indirect_dma semaphore(%run_scoped3A : memref<!tpu.dma_semaphore, #tpu.memory_space<semaphore_mem>>) src(%dma_wait3A_304 : memref<128xf32, #tpu.memory_space<vmem>>) dst(%dma_wait3A_306 : memref<1310720xf32, #tpu.memory_space<vmem_shared>>)
          tpu.yield
        }) : () -> ()
        %slice3A_199 = vector.extract_strided_slice %get3A_74 {offsets = [9], sizes = [1], strides = [1]} : vector<16xi32> to vector<1xi32>
        %squeeze3A_200 = vector.extract %slice3A_199[0] : i32 from vector<1xi32>
        %mul3A_201 = arith.constant 128 : i32
        %mul3A_202 = arith.muli %squeeze3A_200, %mul3A_201 : i32
        %scan3A_203 = arith.constant 0 : i32
        %scan3A_204 = arith.constant 0 : i32
        %scan3A_205 = arith.constant 8 : i32
        %scan3A_206 = arith.addi %scan3A_204, %scan3A_205 : i32
        %scan3A_207 = arith.constant 1 : i32
        scf.for %scan3A_297 = %scan3A_204 to %scan3A_206 step %scan3A_207  : i32 {
          %mul3A_298 = arith.constant 16 : i32
          %mul3A_299 = arith.muli %scan3A_297, %mul3A_298 : i32
          %get3A_300 = arith.index_cast %mul3A_299 : i32 to index
          %get3A_301 = tpu.vector_load %arg11[%get3A_300] {strides = array<i32>} : memref<128xi32, #tpu.memory_space<vmem>>, vector<16xi32>,
          %get3A_302 = vector.shape_cast %get3A_301 : vector<16xi32> to vector<16xi32>
          %add3A_303 = vector.broadcast %mul3A_202 : i32 to vector<16xi32>
          %add3A_304 = arith.addi %add3A_303, %get3A_302 : vector<16xi32>
          %mul3A_305 = arith.constant 16 : i32
          %mul3A_306 = arith.muli %scan3A_297, %mul3A_305 : i32
          %swap3A = arith.index_cast %mul3A_306 : i32 to index
          %swap3A_307 = tpu.vector_load %arg10[%swap3A] {strides = array<i32>} : memref<128xi32, #tpu.memory_space<vmem>>, vector<16xi32>,
          %swap3A_308 = vector.shape_cast %swap3A_307 : vector<16xi32> to vector<16xi32>
          %swap3A_309 = vector.shape_cast %add3A_304 : vector<16xi32> to vector<16xi32>
          tpu.vector_store %arg10[%swap3A], %swap3A_309 {strides = array<i32>} : memref<128xi32, #tpu.memory_space<vmem>>, vector<16xi32>,
        }
        %scan3A_208 = arith.constant 8 : i32
        %mul3A_209 = arith.constant 16 : i32
        %mul3A_210 = arith.muli %scan3A_70, %mul3A_209 : i32
        %add3A_211 = arith.constant 9 : i32
        %add3A_212 = arith.addi %mul3A_210, %add3A_211 : i32
        "tpu.region"() ({
          %run_scoped3A = tpu.sem_alloc : memref<!tpu.dma_semaphore, #tpu.memory_space<semaphore_mem>>
          %dma_start3A_297 = arith.constant 0 : i32
          %dma_start3A_298 = tpu.memref_slice %arg12[%add3A_212, %dma_start3A_297] : memref<128x128xf32, #tpu.memory_space<vmem>> -> memref<1x128xf32, #tpu.memory_space<vmem>>
          %dma_start3A_299 = tpu.memref_squeeze %dma_start3A_298 : memref<1x128xf32, #tpu.memory_space<vmem>> -> memref<128xf32, #tpu.memory_space<vmem>>
          %dma_start3A_300 = arith.constant 0 : i32
          %dma_start3A_301 = tpu.memref_slice %arg14[%dma_start3A_300] : memref<1310720xf32, #tpu.memory_space<vmem_shared>> -> memref<1310720xf32, #tpu.memory_space<vmem_shared>>
          tpu.enqueue_indirect_dma source(%dma_start3A_299 : memref<128xf32, #tpu.memory_space<vmem>>) target(%dma_start3A_301 : memref<1310720xf32, #tpu.memory_space<vmem_shared>>) offsets(%arg10 : memref<128xi32, #tpu.memory_space<vmem>>) semaphore(%run_scoped3A : memref<!tpu.dma_semaphore, #tpu.memory_space<semaphore_mem>>) {add = true}
          %dma_wait3A_302 = arith.constant 0 : i32
          %dma_wait3A_303 = tpu.memref_slice %arg12[%add3A_212, %dma_wait3A_302] : memref<128x128xf32, #tpu.memory_space<vmem>> -> memref<1x128xf32, #tpu.memory_space<vmem>>
          %dma_wait3A_304 = tpu.memref_squeeze %dma_wait3A_303 : memref<1x128xf32, #tpu.memory_space<vmem>> -> memref<128xf32, #tpu.memory_space<vmem>>
          %dma_wait3A_305 = arith.constant 0 : i32
          %dma_wait3A_306 = tpu.memref_slice %arg14[%dma_wait3A_305] : memref<1310720xf32, #tpu.memory_space<vmem_shared>> -> memref<1310720xf32, #tpu.memory_space<vmem_shared>>
          tpu.wait_indirect_dma semaphore(%run_scoped3A : memref<!tpu.dma_semaphore, #tpu.memory_space<semaphore_mem>>) src(%dma_wait3A_304 : memref<128xf32, #tpu.memory_space<vmem>>) dst(%dma_wait3A_306 : memref<1310720xf32, #tpu.memory_space<vmem_shared>>)
          tpu.yield
        }) : () -> ()
        %slice3A_213 = vector.extract_strided_slice %get3A_74 {offsets = [10], sizes = [1], strides = [1]} : vector<16xi32> to vector<1xi32>
        %squeeze3A_214 = vector.extract %slice3A_213[0] : i32 from vector<1xi32>
        %mul3A_215 = arith.constant 128 : i32
        %mul3A_216 = arith.muli %squeeze3A_214, %mul3A_215 : i32
        %scan3A_217 = arith.constant 0 : i32
        %scan3A_218 = arith.constant 0 : i32
        %scan3A_219 = arith.constant 8 : i32
        %scan3A_220 = arith.addi %scan3A_218, %scan3A_219 : i32
        %scan3A_221 = arith.constant 1 : i32
        scf.for %scan3A_297 = %scan3A_218 to %scan3A_220 step %scan3A_221  : i32 {
          %mul3A_298 = arith.constant 16 : i32
          %mul3A_299 = arith.muli %scan3A_297, %mul3A_298 : i32
          %get3A_300 = arith.index_cast %mul3A_299 : i32 to index
          %get3A_301 = tpu.vector_load %arg11[%get3A_300] {strides = array<i32>} : memref<128xi32, #tpu.memory_space<vmem>>, vector<16xi32>,
          %get3A_302 = vector.shape_cast %get3A_301 : vector<16xi32> to vector<16xi32>
          %add3A_303 = vector.broadcast %mul3A_216 : i32 to vector<16xi32>
          %add3A_304 = arith.addi %add3A_303, %get3A_302 : vector<16xi32>
          %mul3A_305 = arith.constant 16 : i32
          %mul3A_306 = arith.muli %scan3A_297, %mul3A_305 : i32
          %swap3A = arith.index_cast %mul3A_306 : i32 to index
          %swap3A_307 = tpu.vector_load %arg10[%swap3A] {strides = array<i32>} : memref<128xi32, #tpu.memory_space<vmem>>, vector<16xi32>,
          %swap3A_308 = vector.shape_cast %swap3A_307 : vector<16xi32> to vector<16xi32>
          %swap3A_309 = vector.shape_cast %add3A_304 : vector<16xi32> to vector<16xi32>
          tpu.vector_store %arg10[%swap3A], %swap3A_309 {strides = array<i32>} : memref<128xi32, #tpu.memory_space<vmem>>, vector<16xi32>,
        }
        %scan3A_222 = arith.constant 8 : i32
        %mul3A_223 = arith.constant 16 : i32
        %mul3A_224 = arith.muli %scan3A_70, %mul3A_223 : i32
        %add3A_225 = arith.constant 10 : i32
        %add3A_226 = arith.addi %mul3A_224, %add3A_225 : i32
        "tpu.region"() ({
          %run_scoped3A = tpu.sem_alloc : memref<!tpu.dma_semaphore, #tpu.memory_space<semaphore_mem>>
          %dma_start3A_297 = arith.constant 0 : i32
          %dma_start3A_298 = tpu.memref_slice %arg12[%add3A_226, %dma_start3A_297] : memref<128x128xf32, #tpu.memory_space<vmem>> -> memref<1x128xf32, #tpu.memory_space<vmem>>
          %dma_start3A_299 = tpu.memref_squeeze %dma_start3A_298 : memref<1x128xf32, #tpu.memory_space<vmem>> -> memref<128xf32, #tpu.memory_space<vmem>>
          %dma_start3A_300 = arith.constant 0 : i32
          %dma_start3A_301 = tpu.memref_slice %arg14[%dma_start3A_300] : memref<1310720xf32, #tpu.memory_space<vmem_shared>> -> memref<1310720xf32, #tpu.memory_space<vmem_shared>>
          tpu.enqueue_indirect_dma source(%dma_start3A_299 : memref<128xf32, #tpu.memory_space<vmem>>) target(%dma_start3A_301 : memref<1310720xf32, #tpu.memory_space<vmem_shared>>) offsets(%arg10 : memref<128xi32, #tpu.memory_space<vmem>>) semaphore(%run_scoped3A : memref<!tpu.dma_semaphore, #tpu.memory_space<semaphore_mem>>) {add = true}
          %dma_wait3A_302 = arith.constant 0 : i32
          %dma_wait3A_303 = tpu.memref_slice %arg12[%add3A_226, %dma_wait3A_302] : memref<128x128xf32, #tpu.memory_space<vmem>> -> memref<1x128xf32, #tpu.memory_space<vmem>>
          %dma_wait3A_304 = tpu.memref_squeeze %dma_wait3A_303 : memref<1x128xf32, #tpu.memory_space<vmem>> -> memref<128xf32, #tpu.memory_space<vmem>>
          %dma_wait3A_305 = arith.constant 0 : i32
          %dma_wait3A_306 = tpu.memref_slice %arg14[%dma_wait3A_305] : memref<1310720xf32, #tpu.memory_space<vmem_shared>> -> memref<1310720xf32, #tpu.memory_space<vmem_shared>>
          tpu.wait_indirect_dma semaphore(%run_scoped3A : memref<!tpu.dma_semaphore, #tpu.memory_space<semaphore_mem>>) src(%dma_wait3A_304 : memref<128xf32, #tpu.memory_space<vmem>>) dst(%dma_wait3A_306 : memref<1310720xf32, #tpu.memory_space<vmem_shared>>)
          tpu.yield
        }) : () -> ()
        %slice3A_227 = vector.extract_strided_slice %get3A_74 {offsets = [11], sizes = [1], strides = [1]} : vector<16xi32> to vector<1xi32>
        %squeeze3A_228 = vector.extract %slice3A_227[0] : i32 from vector<1xi32>
        %mul3A_229 = arith.constant 128 : i32
        %mul3A_230 = arith.muli %squeeze3A_228, %mul3A_229 : i32
        %scan3A_231 = arith.constant 0 : i32
        %scan3A_232 = arith.constant 0 : i32
        %scan3A_233 = arith.constant 8 : i32
        %scan3A_234 = arith.addi %scan3A_232, %scan3A_233 : i32
        %scan3A_235 = arith.constant 1 : i32
        scf.for %scan3A_297 = %scan3A_232 to %scan3A_234 step %scan3A_235  : i32 {
          %mul3A_298 = arith.constant 16 : i32
          %mul3A_299 = arith.muli %scan3A_297, %mul3A_298 : i32
          %get3A_300 = arith.index_cast %mul3A_299 : i32 to index
          %get3A_301 = tpu.vector_load %arg11[%get3A_300] {strides = array<i32>} : memref<128xi32, #tpu.memory_space<vmem>>, vector<16xi32>,
          %get3A_302 = vector.shape_cast %get3A_301 : vector<16xi32> to vector<16xi32>
          %add3A_303 = vector.broadcast %mul3A_230 : i32 to vector<16xi32>
          %add3A_304 = arith.addi %add3A_303, %get3A_302 : vector<16xi32>
          %mul3A_305 = arith.constant 16 : i32
          %mul3A_306 = arith.muli %scan3A_297, %mul3A_305 : i32
          %swap3A = arith.index_cast %mul3A_306 : i32 to index
          %swap3A_307 = tpu.vector_load %arg10[%swap3A] {strides = array<i32>} : memref<128xi32, #tpu.memory_space<vmem>>, vector<16xi32>,
          %swap3A_308 = vector.shape_cast %swap3A_307 : vector<16xi32> to vector<16xi32>
          %swap3A_309 = vector.shape_cast %add3A_304 : vector<16xi32> to vector<16xi32>
          tpu.vector_store %arg10[%swap3A], %swap3A_309 {strides = array<i32>} : memref<128xi32, #tpu.memory_space<vmem>>, vector<16xi32>,
        }
        %scan3A_236 = arith.constant 8 : i32
        %mul3A_237 = arith.constant 16 : i32
        %mul3A_238 = arith.muli %scan3A_70, %mul3A_237 : i32
        %add3A_239 = arith.constant 11 : i32
        %add3A_240 = arith.addi %mul3A_238, %add3A_239 : i32
        "tpu.region"() ({
          %run_scoped3A = tpu.sem_alloc : memref<!tpu.dma_semaphore, #tpu.memory_space<semaphore_mem>>
          %dma_start3A_297 = arith.constant 0 : i32
          %dma_start3A_298 = tpu.memref_slice %arg12[%add3A_240, %dma_start3A_297] : memref<128x128xf32, #tpu.memory_space<vmem>> -> memref<1x128xf32, #tpu.memory_space<vmem>>
          %dma_start3A_299 = tpu.memref_squeeze %dma_start3A_298 : memref<1x128xf32, #tpu.memory_space<vmem>> -> memref<128xf32, #tpu.memory_space<vmem>>
          %dma_start3A_300 = arith.constant 0 : i32
          %dma_start3A_301 = tpu.memref_slice %arg14[%dma_start3A_300] : memref<1310720xf32, #tpu.memory_space<vmem_shared>> -> memref<1310720xf32, #tpu.memory_space<vmem_shared>>
          tpu.enqueue_indirect_dma source(%dma_start3A_299 : memref<128xf32, #tpu.memory_space<vmem>>) target(%dma_start3A_301 : memref<1310720xf32, #tpu.memory_space<vmem_shared>>) offsets(%arg10 : memref<128xi32, #tpu.memory_space<vmem>>) semaphore(%run_scoped3A : memref<!tpu.dma_semaphore, #tpu.memory_space<semaphore_mem>>) {add = true}
          %dma_wait3A_302 = arith.constant 0 : i32
          %dma_wait3A_303 = tpu.memref_slice %arg12[%add3A_240, %dma_wait3A_302] : memref<128x128xf32, #tpu.memory_space<vmem>> -> memref<1x128xf32, #tpu.memory_space<vmem>>
          %dma_wait3A_304 = tpu.memref_squeeze %dma_wait3A_303 : memref<1x128xf32, #tpu.memory_space<vmem>> -> memref<128xf32, #tpu.memory_space<vmem>>
          %dma_wait3A_305 = arith.constant 0 : i32
          %dma_wait3A_306 = tpu.memref_slice %arg14[%dma_wait3A_305] : memref<1310720xf32, #tpu.memory_space<vmem_shared>> -> memref<1310720xf32, #tpu.memory_space<vmem_shared>>
          tpu.wait_indirect_dma semaphore(%run_scoped3A : memref<!tpu.dma_semaphore, #tpu.memory_space<semaphore_mem>>) src(%dma_wait3A_304 : memref<128xf32, #tpu.memory_space<vmem>>) dst(%dma_wait3A_306 : memref<1310720xf32, #tpu.memory_space<vmem_shared>>)
          tpu.yield
        }) : () -> ()
        %slice3A_241 = vector.extract_strided_slice %get3A_74 {offsets = [12], sizes = [1], strides = [1]} : vector<16xi32> to vector<1xi32>
        %squeeze3A_242 = vector.extract %slice3A_241[0] : i32 from vector<1xi32>
        %mul3A_243 = arith.constant 128 : i32
        %mul3A_244 = arith.muli %squeeze3A_242, %mul3A_243 : i32
        %scan3A_245 = arith.constant 0 : i32
        %scan3A_246 = arith.constant 0 : i32
        %scan3A_247 = arith.constant 8 : i32
        %scan3A_248 = arith.addi %scan3A_246, %scan3A_247 : i32
        %scan3A_249 = arith.constant 1 : i32
        scf.for %scan3A_297 = %scan3A_246 to %scan3A_248 step %scan3A_249  : i32 {
          %mul3A_298 = arith.constant 16 : i32
          %mul3A_299 = arith.muli %scan3A_297, %mul3A_298 : i32
          %get3A_300 = arith.index_cast %mul3A_299 : i32 to index
          %get3A_301 = tpu.vector_load %arg11[%get3A_300] {strides = array<i32>} : memref<128xi32, #tpu.memory_space<vmem>>, vector<16xi32>,
          %get3A_302 = vector.shape_cast %get3A_301 : vector<16xi32> to vector<16xi32>
          %add3A_303 = vector.broadcast %mul3A_244 : i32 to vector<16xi32>
          %add3A_304 = arith.addi %add3A_303, %get3A_302 : vector<16xi32>
          %mul3A_305 = arith.constant 16 : i32
          %mul3A_306 = arith.muli %scan3A_297, %mul3A_305 : i32
          %swap3A = arith.index_cast %mul3A_306 : i32 to index
          %swap3A_307 = tpu.vector_load %arg10[%swap3A] {strides = array<i32>} : memref<128xi32, #tpu.memory_space<vmem>>, vector<16xi32>,
          %swap3A_308 = vector.shape_cast %swap3A_307 : vector<16xi32> to vector<16xi32>
          %swap3A_309 = vector.shape_cast %add3A_304 : vector<16xi32> to vector<16xi32>
          tpu.vector_store %arg10[%swap3A], %swap3A_309 {strides = array<i32>} : memref<128xi32, #tpu.memory_space<vmem>>, vector<16xi32>,
        }
        %scan3A_250 = arith.constant 8 : i32
        %mul3A_251 = arith.constant 16 : i32
        %mul3A_252 = arith.muli %scan3A_70, %mul3A_251 : i32
        %add3A_253 = arith.constant 12 : i32
        %add3A_254 = arith.addi %mul3A_252, %add3A_253 : i32
        "tpu.region"() ({
          %run_scoped3A = tpu.sem_alloc : memref<!tpu.dma_semaphore, #tpu.memory_space<semaphore_mem>>
          %dma_start3A_297 = arith.constant 0 : i32
          %dma_start3A_298 = tpu.memref_slice %arg12[%add3A_254, %dma_start3A_297] : memref<128x128xf32, #tpu.memory_space<vmem>> -> memref<1x128xf32, #tpu.memory_space<vmem>>
          %dma_start3A_299 = tpu.memref_squeeze %dma_start3A_298 : memref<1x128xf32, #tpu.memory_space<vmem>> -> memref<128xf32, #tpu.memory_space<vmem>>
          %dma_start3A_300 = arith.constant 0 : i32
          %dma_start3A_301 = tpu.memref_slice %arg14[%dma_start3A_300] : memref<1310720xf32, #tpu.memory_space<vmem_shared>> -> memref<1310720xf32, #tpu.memory_space<vmem_shared>>
          tpu.enqueue_indirect_dma source(%dma_start3A_299 : memref<128xf32, #tpu.memory_space<vmem>>) target(%dma_start3A_301 : memref<1310720xf32, #tpu.memory_space<vmem_shared>>) offsets(%arg10 : memref<128xi32, #tpu.memory_space<vmem>>) semaphore(%run_scoped3A : memref<!tpu.dma_semaphore, #tpu.memory_space<semaphore_mem>>) {add = true}
          %dma_wait3A_302 = arith.constant 0 : i32
          %dma_wait3A_303 = tpu.memref_slice %arg12[%add3A_254, %dma_wait3A_302] : memref<128x128xf32, #tpu.memory_space<vmem>> -> memref<1x128xf32, #tpu.memory_space<vmem>>
          %dma_wait3A_304 = tpu.memref_squeeze %dma_wait3A_303 : memref<1x128xf32, #tpu.memory_space<vmem>> -> memref<128xf32, #tpu.memory_space<vmem>>
          %dma_wait3A_305 = arith.constant 0 : i32
          %dma_wait3A_306 = tpu.memref_slice %arg14[%dma_wait3A_305] : memref<1310720xf32, #tpu.memory_space<vmem_shared>> -> memref<1310720xf32, #tpu.memory_space<vmem_shared>>
          tpu.wait_indirect_dma semaphore(%run_scoped3A : memref<!tpu.dma_semaphore, #tpu.memory_space<semaphore_mem>>) src(%dma_wait3A_304 : memref<128xf32, #tpu.memory_space<vmem>>) dst(%dma_wait3A_306 : memref<1310720xf32, #tpu.memory_space<vmem_shared>>)
          tpu.yield
        }) : () -> ()
        %slice3A_255 = vector.extract_strided_slice %get3A_74 {offsets = [13], sizes = [1], strides = [1]} : vector<16xi32> to vector<1xi32>
        %squeeze3A_256 = vector.extract %slice3A_255[0] : i32 from vector<1xi32>
        %mul3A_257 = arith.constant 128 : i32
        %mul3A_258 = arith.muli %squeeze3A_256, %mul3A_257 : i32
        %scan3A_259 = arith.constant 0 : i32
        %scan3A_260 = arith.constant 0 : i32
        %scan3A_261 = arith.constant 8 : i32
        %scan3A_262 = arith.addi %scan3A_260, %scan3A_261 : i32
        %scan3A_263 = arith.constant 1 : i32
        scf.for %scan3A_297 = %scan3A_260 to %scan3A_262 step %scan3A_263  : i32 {
          %mul3A_298 = arith.constant 16 : i32
          %mul3A_299 = arith.muli %scan3A_297, %mul3A_298 : i32
          %get3A_300 = arith.index_cast %mul3A_299 : i32 to index
          %get3A_301 = tpu.vector_load %arg11[%get3A_300] {strides = array<i32>} : memref<128xi32, #tpu.memory_space<vmem>>, vector<16xi32>,
          %get3A_302 = vector.shape_cast %get3A_301 : vector<16xi32> to vector<16xi32>
          %add3A_303 = vector.broadcast %mul3A_258 : i32 to vector<16xi32>
          %add3A_304 = arith.addi %add3A_303, %get3A_302 : vector<16xi32>
          %mul3A_305 = arith.constant 16 : i32
          %mul3A_306 = arith.muli %scan3A_297, %mul3A_305 : i32
          %swap3A = arith.index_cast %mul3A_306 : i32 to index
          %swap3A_307 = tpu.vector_load %arg10[%swap3A] {strides = array<i32>} : memref<128xi32, #tpu.memory_space<vmem>>, vector<16xi32>,
          %swap3A_308 = vector.shape_cast %swap3A_307 : vector<16xi32> to vector<16xi32>
          %swap3A_309 = vector.shape_cast %add3A_304 : vector<16xi32> to vector<16xi32>
          tpu.vector_store %arg10[%swap3A], %swap3A_309 {strides = array<i32>} : memref<128xi32, #tpu.memory_space<vmem>>, vector<16xi32>,
        }
        %scan3A_264 = arith.constant 8 : i32
        %mul3A_265 = arith.constant 16 : i32
        %mul3A_266 = arith.muli %scan3A_70, %mul3A_265 : i32
        %add3A_267 = arith.constant 13 : i32
        %add3A_268 = arith.addi %mul3A_266, %add3A_267 : i32
        "tpu.region"() ({
          %run_scoped3A = tpu.sem_alloc : memref<!tpu.dma_semaphore, #tpu.memory_space<semaphore_mem>>
          %dma_start3A_297 = arith.constant 0 : i32
          %dma_start3A_298 = tpu.memref_slice %arg12[%add3A_268, %dma_start3A_297] : memref<128x128xf32, #tpu.memory_space<vmem>> -> memref<1x128xf32, #tpu.memory_space<vmem>>
          %dma_start3A_299 = tpu.memref_squeeze %dma_start3A_298 : memref<1x128xf32, #tpu.memory_space<vmem>> -> memref<128xf32, #tpu.memory_space<vmem>>
          %dma_start3A_300 = arith.constant 0 : i32
          %dma_start3A_301 = tpu.memref_slice %arg14[%dma_start3A_300] : memref<1310720xf32, #tpu.memory_space<vmem_shared>> -> memref<1310720xf32, #tpu.memory_space<vmem_shared>>
          tpu.enqueue_indirect_dma source(%dma_start3A_299 : memref<128xf32, #tpu.memory_space<vmem>>) target(%dma_start3A_301 : memref<1310720xf32, #tpu.memory_space<vmem_shared>>) offsets(%arg10 : memref<128xi32, #tpu.memory_space<vmem>>) semaphore(%run_scoped3A : memref<!tpu.dma_semaphore, #tpu.memory_space<semaphore_mem>>) {add = true}
          %dma_wait3A_302 = arith.constant 0 : i32
          %dma_wait3A_303 = tpu.memref_slice %arg12[%add3A_268, %dma_wait3A_302] : memref<128x128xf32, #tpu.memory_space<vmem>> -> memref<1x128xf32, #tpu.memory_space<vmem>>
          %dma_wait3A_304 = tpu.memref_squeeze %dma_wait3A_303 : memref<1x128xf32, #tpu.memory_space<vmem>> -> memref<128xf32, #tpu.memory_space<vmem>>
          %dma_wait3A_305 = arith.constant 0 : i32
          %dma_wait3A_306 = tpu.memref_slice %arg14[%dma_wait3A_305] : memref<1310720xf32, #tpu.memory_space<vmem_shared>> -> memref<1310720xf32, #tpu.memory_space<vmem_shared>>
          tpu.wait_indirect_dma semaphore(%run_scoped3A : memref<!tpu.dma_semaphore, #tpu.memory_space<semaphore_mem>>) src(%dma_wait3A_304 : memref<128xf32, #tpu.memory_space<vmem>>) dst(%dma_wait3A_306 : memref<1310720xf32, #tpu.memory_space<vmem_shared>>)
          tpu.yield
        }) : () -> ()
        %slice3A_269 = vector.extract_strided_slice %get3A_74 {offsets = [14], sizes = [1], strides = [1]} : vector<16xi32> to vector<1xi32>
        %squeeze3A_270 = vector.extract %slice3A_269[0] : i32 from vector<1xi32>
        %mul3A_271 = arith.constant 128 : i32
        %mul3A_272 = arith.muli %squeeze3A_270, %mul3A_271 : i32
        %scan3A_273 = arith.constant 0 : i32
        %scan3A_274 = arith.constant 0 : i32
        %scan3A_275 = arith.constant 8 : i32
        %scan3A_276 = arith.addi %scan3A_274, %scan3A_275 : i32
        %scan3A_277 = arith.constant 1 : i32
        scf.for %scan3A_297 = %scan3A_274 to %scan3A_276 step %scan3A_277  : i32 {
          %mul3A_298 = arith.constant 16 : i32
          %mul3A_299 = arith.muli %scan3A_297, %mul3A_298 : i32
          %get3A_300 = arith.index_cast %mul3A_299 : i32 to index
          %get3A_301 = tpu.vector_load %arg11[%get3A_300] {strides = array<i32>} : memref<128xi32, #tpu.memory_space<vmem>>, vector<16xi32>,
          %get3A_302 = vector.shape_cast %get3A_301 : vector<16xi32> to vector<16xi32>
          %add3A_303 = vector.broadcast %mul3A_272 : i32 to vector<16xi32>
          %add3A_304 = arith.addi %add3A_303, %get3A_302 : vector<16xi32>
          %mul3A_305 = arith.constant 16 : i32
          %mul3A_306 = arith.muli %scan3A_297, %mul3A_305 : i32
          %swap3A = arith.index_cast %mul3A_306 : i32 to index
          %swap3A_307 = tpu.vector_load %arg10[%swap3A] {strides = array<i32>} : memref<128xi32, #tpu.memory_space<vmem>>, vector<16xi32>,
          %swap3A_308 = vector.shape_cast %swap3A_307 : vector<16xi32> to vector<16xi32>
          %swap3A_309 = vector.shape_cast %add3A_304 : vector<16xi32> to vector<16xi32>
          tpu.vector_store %arg10[%swap3A], %swap3A_309 {strides = array<i32>} : memref<128xi32, #tpu.memory_space<vmem>>, vector<16xi32>,
        }
        %scan3A_278 = arith.constant 8 : i32
        %mul3A_279 = arith.constant 16 : i32
        %mul3A_280 = arith.muli %scan3A_70, %mul3A_279 : i32
        %add3A_281 = arith.constant 14 : i32
        %add3A_282 = arith.addi %mul3A_280, %add3A_281 : i32
        "tpu.region"() ({
          %run_scoped3A = tpu.sem_alloc : memref<!tpu.dma_semaphore, #tpu.memory_space<semaphore_mem>>
          %dma_start3A_297 = arith.constant 0 : i32
          %dma_start3A_298 = tpu.memref_slice %arg12[%add3A_282, %dma_start3A_297] : memref<128x128xf32, #tpu.memory_space<vmem>> -> memref<1x128xf32, #tpu.memory_space<vmem>>
          %dma_start3A_299 = tpu.memref_squeeze %dma_start3A_298 : memref<1x128xf32, #tpu.memory_space<vmem>> -> memref<128xf32, #tpu.memory_space<vmem>>
          %dma_start3A_300 = arith.constant 0 : i32
          %dma_start3A_301 = tpu.memref_slice %arg14[%dma_start3A_300] : memref<1310720xf32, #tpu.memory_space<vmem_shared>> -> memref<1310720xf32, #tpu.memory_space<vmem_shared>>
          tpu.enqueue_indirect_dma source(%dma_start3A_299 : memref<128xf32, #tpu.memory_space<vmem>>) target(%dma_start3A_301 : memref<1310720xf32, #tpu.memory_space<vmem_shared>>) offsets(%arg10 : memref<128xi32, #tpu.memory_space<vmem>>) semaphore(%run_scoped3A : memref<!tpu.dma_semaphore, #tpu.memory_space<semaphore_mem>>) {add = true}
          %dma_wait3A_302 = arith.constant 0 : i32
          %dma_wait3A_303 = tpu.memref_slice %arg12[%add3A_282, %dma_wait3A_302] : memref<128x128xf32, #tpu.memory_space<vmem>> -> memref<1x128xf32, #tpu.memory_space<vmem>>
          %dma_wait3A_304 = tpu.memref_squeeze %dma_wait3A_303 : memref<1x128xf32, #tpu.memory_space<vmem>> -> memref<128xf32, #tpu.memory_space<vmem>>
          %dma_wait3A_305 = arith.constant 0 : i32
          %dma_wait3A_306 = tpu.memref_slice %arg14[%dma_wait3A_305] : memref<1310720xf32, #tpu.memory_space<vmem_shared>> -> memref<1310720xf32, #tpu.memory_space<vmem_shared>>
          tpu.wait_indirect_dma semaphore(%run_scoped3A : memref<!tpu.dma_semaphore, #tpu.memory_space<semaphore_mem>>) src(%dma_wait3A_304 : memref<128xf32, #tpu.memory_space<vmem>>) dst(%dma_wait3A_306 : memref<1310720xf32, #tpu.memory_space<vmem_shared>>)
          tpu.yield
        }) : () -> ()
        %slice3A_283 = vector.extract_strided_slice %get3A_74 {offsets = [15], sizes = [1], strides = [1]} : vector<16xi32> to vector<1xi32>
        %squeeze3A_284 = vector.extract %slice3A_283[0] : i32 from vector<1xi32>
        %mul3A_285 = arith.constant 128 : i32
        %mul3A_286 = arith.muli %squeeze3A_284, %mul3A_285 : i32
        %scan3A_287 = arith.constant 0 : i32
        %scan3A_288 = arith.constant 0 : i32
        %scan3A_289 = arith.constant 8 : i32
        %scan3A_290 = arith.addi %scan3A_288, %scan3A_289 : i32
        %scan3A_291 = arith.constant 1 : i32
        scf.for %scan3A_297 = %scan3A_288 to %scan3A_290 step %scan3A_291  : i32 {
          %mul3A_298 = arith.constant 16 : i32
          %mul3A_299 = arith.muli %scan3A_297, %mul3A_298 : i32
          %get3A_300 = arith.index_cast %mul3A_299 : i32 to index
          %get3A_301 = tpu.vector_load %arg11[%get3A_300] {strides = array<i32>} : memref<128xi32, #tpu.memory_space<vmem>>, vector<16xi32>,
          %get3A_302 = vector.shape_cast %get3A_301 : vector<16xi32> to vector<16xi32>
          %add3A_303 = vector.broadcast %mul3A_286 : i32 to vector<16xi32>
          %add3A_304 = arith.addi %add3A_303, %get3A_302 : vector<16xi32>
          %mul3A_305 = arith.constant 16 : i32
          %mul3A_306 = arith.muli %scan3A_297, %mul3A_305 : i32
          %swap3A = arith.index_cast %mul3A_306 : i32 to index
          %swap3A_307 = tpu.vector_load %arg10[%swap3A] {strides = array<i32>} : memref<128xi32, #tpu.memory_space<vmem>>, vector<16xi32>,
          %swap3A_308 = vector.shape_cast %swap3A_307 : vector<16xi32> to vector<16xi32>
          %swap3A_309 = vector.shape_cast %add3A_304 : vector<16xi32> to vector<16xi32>
          tpu.vector_store %arg10[%swap3A], %swap3A_309 {strides = array<i32>} : memref<128xi32, #tpu.memory_space<vmem>>, vector<16xi32>,
        }
        %scan3A_292 = arith.constant 8 : i32
        %mul3A_293 = arith.constant 16 : i32
        %mul3A_294 = arith.muli %scan3A_70, %mul3A_293 : i32
        %add3A_295 = arith.constant 15 : i32
        %add3A_296 = arith.addi %mul3A_294, %add3A_295 : i32
        "tpu.region"() ({
          %run_scoped3A = tpu.sem_alloc : memref<!tpu.dma_semaphore, #tpu.memory_space<semaphore_mem>>
          %dma_start3A_297 = arith.constant 0 : i32
          %dma_start3A_298 = tpu.memref_slice %arg12[%add3A_296, %dma_start3A_297] : memref<128x128xf32, #tpu.memory_space<vmem>> -> memref<1x128xf32, #tpu.memory_space<vmem>>
          %dma_start3A_299 = tpu.memref_squeeze %dma_start3A_298 : memref<1x128xf32, #tpu.memory_space<vmem>> -> memref<128xf32, #tpu.memory_space<vmem>>
          %dma_start3A_300 = arith.constant 0 : i32
          %dma_start3A_301 = tpu.memref_slice %arg14[%dma_start3A_300] : memref<1310720xf32, #tpu.memory_space<vmem_shared>> -> memref<1310720xf32, #tpu.memory_space<vmem_shared>>
          tpu.enqueue_indirect_dma source(%dma_start3A_299 : memref<128xf32, #tpu.memory_space<vmem>>) target(%dma_start3A_301 : memref<1310720xf32, #tpu.memory_space<vmem_shared>>) offsets(%arg10 : memref<128xi32, #tpu.memory_space<vmem>>) semaphore(%run_scoped3A : memref<!tpu.dma_semaphore, #tpu.memory_space<semaphore_mem>>) {add = true}
          %dma_wait3A_302 = arith.constant 0 : i32
          %dma_wait3A_303 = tpu.memref_slice %arg12[%add3A_296, %dma_wait3A_302] : memref<128x128xf32, #tpu.memory_space<vmem>> -> memref<1x128xf32, #tpu.memory_space<vmem>>
          %dma_wait3A_304 = tpu.memref_squeeze %dma_wait3A_303 : memref<1x128xf32, #tpu.memory_space<vmem>> -> memref<128xf32, #tpu.memory_space<vmem>>
          %dma_wait3A_305 = arith.constant 0 : i32
          %dma_wait3A_306 = tpu.memref_slice %arg14[%dma_wait3A_305] : memref<1310720xf32, #tpu.memory_space<vmem_shared>> -> memref<1310720xf32, #tpu.memory_space<vmem_shared>>
          tpu.wait_indirect_dma semaphore(%run_scoped3A : memref<!tpu.dma_semaphore, #tpu.memory_space<semaphore_mem>>) src(%dma_wait3A_304 : memref<128xf32, #tpu.memory_space<vmem>>) dst(%dma_wait3A_306 : memref<1310720xf32, #tpu.memory_space<vmem_shared>>)
          tpu.yield
        }) : () -> ()
      }
      %scan3A_69 = arith.constant 8 : i32
    }
    %scan3A_42 = arith.constant 79 : i32
    %barrier3A_43 = arith.constant 0 : index
    tpu.barrier barrier_id(%barrier3A_43)
    %scan3A_44 = arith.constant 0 : i32
    %scan3A_45 = arith.constant 0 : i32
    %scan3A_46 = arith.constant 640 : i32
    %scan3A_47 = arith.addi %scan3A_45, %scan3A_46 : i32
    %scan3A_48 = arith.constant 1 : i32
    scf.for %scan3A_56 = %scan3A_45 to %scan3A_47 step %scan3A_48  : i32 {
      %add3A_57 = arith.addi %mul3A_14, %scan3A_56 : i32
      %mul3A_58 = arith.constant 128 : i32
      %mul3A_59 = arith.muli %add3A_57, %mul3A_58 : i32
      %scan3A_60 = arith.constant 0 : i32
      %scan3A_61 = arith.constant 0 : i32
      %scan3A_62 = arith.constant 8 : i32
      %scan3A_63 = arith.addi %scan3A_61, %scan3A_62 : i32
      %scan3A_64 = arith.constant 1 : i32
      scf.for %scan3A_71 = %scan3A_61 to %scan3A_63 step %scan3A_64  : i32 {
        %mul3A_72 = arith.constant 16 : i32
        %mul3A_73 = arith.muli %scan3A_71, %mul3A_72 : i32
        %get3A = arith.index_cast %mul3A_73 : i32 to index
        %get3A_74 = tpu.vector_load %arg11[%get3A] {strides = array<i32>} : memref<128xi32, #tpu.memory_space<vmem>>, vector<16xi32>,
        %get3A_75 = vector.shape_cast %get3A_74 : vector<16xi32> to vector<16xi32>
        %add3A_76 = vector.broadcast %mul3A_59 : i32 to vector<16xi32>
        %add3A_77 = arith.addi %add3A_76, %get3A_75 : vector<16xi32>
        %mul3A_78 = arith.constant 16 : i32
        %mul3A_79 = arith.muli %scan3A_71, %mul3A_78 : i32
        %swap3A = arith.index_cast %mul3A_79 : i32 to index
        %swap3A_80 = tpu.vector_load %arg10[%swap3A] {strides = array<i32>} : memref<128xi32, #tpu.memory_space<vmem>>, vector<16xi32>,
        %swap3A_81 = vector.shape_cast %swap3A_80 : vector<16xi32> to vector<16xi32>
        %swap3A_82 = vector.shape_cast %add3A_77 : vector<16xi32> to vector<16xi32>
        tpu.vector_store %arg10[%swap3A], %swap3A_82 {strides = array<i32>} : memref<128xi32, #tpu.memory_space<vmem>>, vector<16xi32>,
      }
      %scan3A_65 = arith.constant 8 : i32
      "tpu.region"() ({
        %run_scoped3A = tpu.sem_alloc : memref<!tpu.dma_semaphore, #tpu.memory_space<semaphore_mem>>
        %dma_start3A = arith.constant 0 : i32
        %dma_start3A_71 = tpu.memref_slice %arg14[%dma_start3A] : memref<1310720xf32, #tpu.memory_space<vmem_shared>> -> memref<1310720xf32, #tpu.memory_space<vmem_shared>>
        tpu.enqueue_indirect_dma source(%dma_start3A_71 : memref<1310720xf32, #tpu.memory_space<vmem_shared>>) target(%arg13 : memref<128xf32, #tpu.memory_space<vmem>>) offsets(%arg10 : memref<128xi32, #tpu.memory_space<vmem>>) semaphore(%run_scoped3A : memref<!tpu.dma_semaphore, #tpu.memory_space<semaphore_mem>>)
        %dma_wait3A = arith.constant 0 : i32
        %dma_wait3A_72 = tpu.memref_slice %arg14[%dma_wait3A] : memref<1310720xf32, #tpu.memory_space<vmem_shared>> -> memref<1310720xf32, #tpu.memory_space<vmem_shared>>
        tpu.wait_indirect_dma semaphore(%run_scoped3A : memref<!tpu.dma_semaphore, #tpu.memory_space<semaphore_mem>>) src(%dma_wait3A_72 : memref<1310720xf32, #tpu.memory_space<vmem_shared>>) dst(%arg13 : memref<128xf32, #tpu.memory_space<vmem>>)
        tpu.yield
      }) : () -> ()
      %mul3A_66 = arith.constant 10240 : i32
      %mul3A_67 = arith.muli %arg0, %mul3A_66 : i32
      %add3A_68 = arith.addi %mul3A_67, %add3A_57 : i32
      %mul3A_69 = arith.constant 128 : i32
      %mul3A_70 = arith.muli %add3A_68, %mul3A_69 : i32
      "tpu.region"() ({
        %run_scoped3A = tpu.sem_alloc : memref<!tpu.dma_semaphore, #tpu.memory_space<semaphore_mem>>
        %dma_start3A = tpu.memref_slice %arg6[%mul3A_70] : memref<2621440xf32, #tpu.memory_space<hbm>> -> memref<128xf32, #tpu.memory_space<hbm>>
        %dma_start3A_71 = tpu.memref_slice %arg6[%mul3A_70] : memref<2621440xf32, #tpu.memory_space<hbm>> -> memref<128xf32, #tpu.memory_space<hbm>>
        tpu.enqueue_dma source(%arg13 : memref<128xf32, #tpu.memory_space<vmem>>) target(%dma_start3A_71 : memref<128xf32, #tpu.memory_space<hbm>>) target_semaphore(%run_scoped3A : memref<!tpu.dma_semaphore, #tpu.memory_space<semaphore_mem>>)
        %dma_wait3A = tpu.memref_slice %arg6[%mul3A_70] : memref<2621440xf32, #tpu.memory_space<hbm>> -> memref<128xf32, #tpu.memory_space<hbm>>
        %dma_wait3A_72 = tpu.memref_slice %arg6[%mul3A_70] : memref<2621440xf32, #tpu.memory_space<hbm>> -> memref<128xf32, #tpu.memory_space<hbm>>
        tpu.wait_dma2 semaphore(%run_scoped3A : memref<!tpu.dma_semaphore, #tpu.memory_space<semaphore_mem>>) src(%arg13 : memref<128xf32, #tpu.memory_space<vmem>>) dst(%dma_wait3A_72 : memref<128xf32, #tpu.memory_space<hbm>>)
        tpu.yield
      }) : () -> ()
    }
    %scan3A_49 = arith.constant 640 : i32
    %scan3A_50 = arith.constant 0 : i32
    %scan3A_51 = arith.constant 0 : i32
    %scan3A_52 = arith.constant 5 : i32
    %scan3A_53 = arith.addi %scan3A_51, %scan3A_52 : i32
    %scan3A_54 = arith.constant 1 : i32
    scf.for %scan3A_56 = %scan3A_51 to %scan3A_53 step %scan3A_54  : i32 {
      %mul3A_57 = arith.constant 128 : i32
      %mul3A_58 = arith.muli %scan3A_56, %mul3A_57 : i32
      %add3A_59 = arith.addi %mul3A_14, %mul3A_58 : i32
      "tpu.region"() ({
        %run_scoped3A = tpu.sem_alloc : memref<!tpu.dma_semaphore, #tpu.memory_space<semaphore_mem>>
        %dma_start3A = tpu.memref_slice %arg5[%add3A_59] : memref<10240xi32, #tpu.memory_space<hbm>> -> memref<128xi32, #tpu.memory_space<hbm>>
        %dma_start3A_63 = tpu.memref_slice %arg5[%add3A_59] : memref<10240xi32, #tpu.memory_space<hbm>> -> memref<128xi32, #tpu.memory_space<hbm>>
        tpu.enqueue_dma source(%dma_start3A_63 : memref<128xi32, #tpu.memory_space<hbm>>) target(%arg9 : memref<128xi32, #tpu.memory_space<vmem>>) target_semaphore(%run_scoped3A : memref<!tpu.dma_semaphore, #tpu.memory_space<semaphore_mem>>)
        %dma_wait3A = tpu.memref_slice %arg5[%add3A_59] : memref<10240xi32, #tpu.memory_space<hbm>> -> memref<128xi32, #tpu.memory_space<hbm>>
        %dma_wait3A_64 = tpu.memref_slice %arg5[%add3A_59] : memref<10240xi32, #tpu.memory_space<hbm>> -> memref<128xi32, #tpu.memory_space<hbm>>
        tpu.wait_dma2 semaphore(%run_scoped3A : memref<!tpu.dma_semaphore, #tpu.memory_space<semaphore_mem>>) src(%dma_wait3A_64 : memref<128xi32, #tpu.memory_space<hbm>>) dst(%arg9 : memref<128xi32, #tpu.memory_space<vmem>>)
        tpu.yield
      }) : () -> ()
      "tpu.region"() ({
        %run_scoped3A = tpu.sem_alloc : memref<!tpu.dma_semaphore, #tpu.memory_space<semaphore_mem>>
        %dma_start3A = arith.constant 0 : i32
        %dma_start3A_63 = tpu.memref_slice %arg15[%dma_start3A] : memref<10240xf32, #tpu.memory_space<vmem_shared>> -> memref<10240xf32, #tpu.memory_space<vmem_shared>>
        tpu.enqueue_indirect_dma source(%dma_start3A_63 : memref<10240xf32, #tpu.memory_space<vmem_shared>>) target(%arg13 : memref<128xf32, #tpu.memory_space<vmem>>) offsets(%arg9 : memref<128xi32, #tpu.memory_space<vmem>>) semaphore(%run_scoped3A : memref<!tpu.dma_semaphore, #tpu.memory_space<semaphore_mem>>)
        %dma_wait3A = arith.constant 0 : i32
        %dma_wait3A_64 = tpu.memref_slice %arg15[%dma_wait3A] : memref<10240xf32, #tpu.memory_space<vmem_shared>> -> memref<10240xf32, #tpu.memory_space<vmem_shared>>
        tpu.wait_indirect_dma semaphore(%run_scoped3A : memref<!tpu.dma_semaphore, #tpu.memory_space<semaphore_mem>>) src(%dma_wait3A_64 : memref<10240xf32, #tpu.memory_space<vmem_shared>>) dst(%arg13 : memref<128xf32, #tpu.memory_space<vmem>>)
        tpu.yield
      }) : () -> ()
      %mul3A_60 = arith.constant 10240 : i32
      %mul3A_61 = arith.muli %arg0, %mul3A_60 : i32
      %add3A_62 = arith.addi %mul3A_61, %add3A_59 : i32
      "tpu.region"() ({
        %run_scoped3A = tpu.sem_alloc : memref<!tpu.dma_semaphore, #tpu.memory_space<semaphore_mem>>
        %dma_start3A = tpu.memref_slice %arg7[%add3A_62] : memref<20480xf32, #tpu.memory_space<hbm>> -> memref<128xf32, #tpu.memory_space<hbm>>
        %dma_start3A_63 = tpu.memref_slice %arg7[%add3A_62] : memref<20480xf32, #tpu.memory_space<hbm>> -> memref<128xf32, #tpu.memory_space<hbm>>
        tpu.enqueue_dma source(%arg13 : memref<128xf32, #tpu.memory_space<vmem>>) target(%dma_start3A_63 : memref<128xf32, #tpu.memory_space<hbm>>) target_semaphore(%run_scoped3A : memref<!tpu.dma_semaphore, #tpu.memory_space<semaphore_mem>>)
        %dma_wait3A = tpu.memref_slice %arg7[%add3A_62] : memref<20480xf32, #tpu.memory_space<hbm>> -> memref<128xf32, #tpu.memory_space<hbm>>
        %dma_wait3A_64 = tpu.memref_slice %arg7[%add3A_62] : memref<20480xf32, #tpu.memory_space<hbm>> -> memref<128xf32, #tpu.memory_space<hbm>>
        tpu.wait_dma2 semaphore(%run_scoped3A : memref<!tpu.dma_semaphore, #tpu.memory_space<semaphore_mem>>) src(%arg13 : memref<128xf32, #tpu.memory_space<vmem>>) dst(%dma_wait3A_64 : memref<128xf32, #tpu.memory_space<hbm>>)
        tpu.yield
      }) : () -> ()
    }
    %scan3A_55 = arith.constant 5 : i32
    return
  }
}

module attributes {stable_mosaic.version = 14 : i64} {
  func.func @body(%arg0: i32, %arg1: memref<2x1000x128xf32, #tpu.memory_space<vmem>>, %arg2: memref<2x1000x1xf32, #tpu.memory_space<vmem>>, %arg3: memref<1000x128xf32, #tpu.memory_space<vmem>>, %arg4: memref<128x128xf32, #tpu.memory_space<vmem>>, %arg5: memref<128x128xf32, #tpu.memory_space<vmem>>, %arg6: memref<1x128xf32, #tpu.memory_space<vmem>>, %arg7: memref<1000x128xf32, #tpu.memory_space<vmem>>) attributes {dimension_semantics = [#tpu.dimension_semantics<arbitrary>], iteration_bounds = array<i64: 10>, scalar_prefetch = 0 : i64, scratch_operands = 0 : i64, tpu.core_type = #tpu.core_type<tc>, window_params = [{transform_indices = @transform_0, window_bounds = array<i64: 2, 1000, 128>}, {transform_indices = @transform_1, window_bounds = array<i64: 2, 1000, 1>}, {transform_indices = @transform_2, window_bounds = array<i64: 1000, 128>}, {pipeline_mode = #tpu.pipeline_mode<synchronous>, transform_indices = @transform_3, window_bounds = array<i64: 128, 128>}, {pipeline_mode = #tpu.pipeline_mode<synchronous>, transform_indices = @transform_4, window_bounds = array<i64: 128, 128>}, {pipeline_mode = #tpu.pipeline_mode<synchronous>, transform_indices = @transform_5, window_bounds = array<i64: 1, 128>}, {transform_indices = @transform_6, window_bounds = array<i64: 1000, 128>}]} {
    %get3A = arith.constant 0 : index
    %get3A_0 = arith.constant 0 : index
    %get3A_1 = arith.constant 0 : index
    %get3A_2 = vector.load %arg1[%get3A, %get3A_0, %get3A_1] : memref<2x1000x128xf32, #tpu.memory_space<vmem>>, vector<1x1000x128xf32>
    %get3A_3 = vector.shape_cast %get3A_2 : vector<1x1000x128xf32> to vector<1000x128xf32>
    %get3A_4 = arith.constant 1 : index
    %get3A_5 = arith.constant 0 : index
    %get3A_6 = arith.constant 0 : index
    %get3A_7 = vector.load %arg1[%get3A_4, %get3A_5, %get3A_6] : memref<2x1000x128xf32, #tpu.memory_space<vmem>>, vector<1x1000x128xf32>
    %get3A_8 = vector.shape_cast %get3A_7 : vector<1x1000x128xf32> to vector<1000x128xf32>
    %add3A = arith.addf %get3A_3, %get3A_8 : vector<1000x128xf32>
    %get3A_9 = arith.constant 0 : index
    %get3A_10 = arith.constant 0 : index
    %get3A_11 = arith.constant 0 : index
    %get3A_12 = vector.load %arg2[%get3A_9, %get3A_10, %get3A_11] : memref<2x1000x1xf32, #tpu.memory_space<vmem>>, vector<1x1000x1xf32>
    %get3A_13 = vector.shape_cast %get3A_12 : vector<1x1000x1xf32> to vector<1000x1xf32>
    %get3A_14 = arith.constant 1 : index
    %get3A_15 = arith.constant 0 : index
    %get3A_16 = arith.constant 0 : index
    %get3A_17 = vector.load %arg2[%get3A_14, %get3A_15, %get3A_16] : memref<2x1000x1xf32, #tpu.memory_space<vmem>>, vector<1x1000x1xf32>
    %get3A_18 = vector.shape_cast %get3A_17 : vector<1x1000x1xf32> to vector<1000x1xf32>
    %add3A_19 = arith.addf %get3A_13, %get3A_18 : vector<1000x1xf32>
    %max3A = arith.constant 1.000000e+00 : f32
    %max3A_20 = vector.broadcast %max3A : f32 to vector<1000x1xf32>
    %max3A_21 = arith.maximumf %add3A_19, %max3A_20 : vector<1000x1xf32>
    %div3A = arith.constant 1.000000e+00 : f32
    %div3A_22 = vector.broadcast %div3A : f32 to vector<1000x1xf32>
    %div3A_23 = arith.divf %div3A_22, %max3A_21 : vector<1000x1xf32>
    %mul3A = vector.broadcast %div3A_23 : vector<1000x1xf32> to vector<1000x128xf32>
    %mul3A_24 = arith.mulf %add3A, %mul3A : vector<1000x128xf32>
    %get3A_25 = arith.constant 0 : index
    %get3A_26 = arith.constant 0 : index
    %get3A_27 = vector.load %arg4[%get3A_25, %get3A_26] : memref<128x128xf32, #tpu.memory_space<vmem>>, vector<128x128xf32>
    %dot_general3A = arith.constant dense<0.000000e+00> : vector<1000x128xf32>
    %dot_general3A_28 = tpu.matmul %mul3A_24, %get3A_27, %dot_general3A {dimension_numbers = #tpu.dot_dimension_numbers<[1], [0], [0], [1], [0, 0, 1, 1], [], []>, transpose_lhs_hint = false} : vector<1000x128xf32>, vector<128x128xf32>, vector<1000x128xf32> -> vector<1000x128xf32>
    %get3A_29 = arith.constant 0 : index
    %get3A_30 = arith.constant 0 : index
    %get3A_31 = vector.load %arg3[%get3A_29, %get3A_30] : memref<1000x128xf32, #tpu.memory_space<vmem>>, vector<1000x128xf32>
    %get3A_32 = arith.constant 0 : index
    %get3A_33 = arith.constant 0 : index
    %get3A_34 = vector.load %arg5[%get3A_32, %get3A_33] : memref<128x128xf32, #tpu.memory_space<vmem>>, vector<128x128xf32>
    %dot_general3A_35 = arith.constant dense<0.000000e+00> : vector<1000x128xf32>
    %dot_general3A_36 = tpu.matmul %get3A_31, %get3A_34, %dot_general3A_35 {dimension_numbers = #tpu.dot_dimension_numbers<[1], [0], [0], [1], [0, 0, 1, 1], [], []>, transpose_lhs_hint = false} : vector<1000x128xf32>, vector<128x128xf32>, vector<1000x128xf32> -> vector<1000x128xf32>
    %add3A_37 = arith.addf %dot_general3A_28, %dot_general3A_36 : vector<1000x128xf32>
    %get3A_38 = arith.constant 0 : index
    %get3A_39 = arith.constant 0 : index
    %get3A_40 = vector.load %arg6[%get3A_38, %get3A_39] : memref<1x128xf32, #tpu.memory_space<vmem>>, vector<1x128xf32>
    %add3A_41 = vector.broadcast %get3A_40 : vector<1x128xf32> to vector<1000x128xf32>
    %add3A_42 = arith.addf %add3A_37, %add3A_41 : vector<1000x128xf32>
    %max3A_43 = arith.constant 0.000000e+00 : f32
    %max3A_44 = vector.broadcast %max3A_43 : f32 to vector<1000x128xf32>
    %max3A_45 = arith.maximumf %add3A_42, %max3A_44 : vector<1000x128xf32>
    %swap3A = arith.constant 0 : index
    %swap3A_46 = arith.constant 0 : index
    %swap3A_47 = vector.load %arg7[%swap3A, %swap3A_46] : memref<1000x128xf32, #tpu.memory_space<vmem>>, vector<1000x128xf32>
    tpu.vector_store %arg7[%swap3A, %swap3A_46], %max3A_45 {strides = array<i32>} : memref<1000x128xf32, #tpu.memory_space<vmem>>, vector<1000x128xf32>,
    return
  }
  func.func @transform_0(%arg0: i32) -> (i32, i32, i32) {
    %c0_i32 = arith.constant 0 : i32
    %c0_i32_0 = arith.constant 0 : i32
    %c0_i32_1 = arith.constant 0 : i32
    return %c0_i32, %arg0, %c0_i32_0 : i32, i32, i32
  }
  func.func @transform_1(%arg0: i32) -> (i32, i32, i32) {
    %c0_i32 = arith.constant 0 : i32
    %c0_i32_0 = arith.constant 0 : i32
    %c0_i32_1 = arith.constant 0 : i32
    return %c0_i32, %arg0, %c0_i32_0 : i32, i32, i32
  }
  func.func @transform_2(%arg0: i32) -> (i32, i32) {
    %c0_i32 = arith.constant 0 : i32
    %c0_i32_0 = arith.constant 0 : i32
    return %arg0, %c0_i32 : i32, i32
  }
  func.func @transform_3(%arg0: i32) -> (i32, i32) {
    %c0_i32 = arith.constant 0 : i32
    %c0_i32_0 = arith.constant 0 : i32
    %c0_i32_1 = arith.constant 0 : i32
    return %c0_i32, %c0_i32_0 : i32, i32
  }
  func.func @transform_4(%arg0: i32) -> (i32, i32) {
    %c0_i32 = arith.constant 0 : i32
    %c0_i32_0 = arith.constant 0 : i32
    %c0_i32_1 = arith.constant 0 : i32
    return %c0_i32, %c0_i32_0 : i32, i32
  }
  func.func @transform_5(%arg0: i32) -> (i32, i32) {
    %c0_i32 = arith.constant 0 : i32
    %c0_i32_0 = arith.constant 0 : i32
    %c0_i32_1 = arith.constant 0 : i32
    return %c0_i32, %c0_i32_0 : i32, i32
  }
  func.func @transform_6(%arg0: i32) -> (i32, i32) {
    %c0_i32 = arith.constant 0 : i32
    %c0_i32_0 = arith.constant 0 : i32
    return %arg0, %c0_i32 : i32, i32
  }
}

</mosaic_0001>

<sc_bundles>
// kernel: kernel.4.cloned.1.call-start
scs
__scs_entry_jumppad:
0x0: {  	(pc) =	sbr.rel $0x88, $3  }
0x1: {  	(tag) =	ssettag $0x0;
	lr =	simm.s32 $0x1  }
0x2: {  	[smem:$0x3F9C] =	sst lr;
	_ =	strace $0xD0000000  }
0x3: {  	_ = 	snop  }
0x4: {  	_ = 	snop  }
0x5: {  	_ = 	snop  }
0x6: {  	_ = 	snop  }
0x7: {  	_ = 	snop  }
__scs_overlays_trampoline_lowered:
0x8: {  	[smem:$0x3FAB] =	sst s0  }
0x9: {  	[smem:$0x3FAC] =	sst s1  }
0xa: {  	[smem:$0x3FAD] =	sst s2  }
0xb: {  	[smem:$0x3FAE] =	sst s3  }
0xc: {  	[smem:$0x3FAF] =	sst s4  }
0xd: {  	[smem:$0x3FB0] =	sst s5  }
0xe: {  	[smem:$0x3FB1] =	sst s6  }
0xf: {  	[smem:$0x3FB2] =	sst s7  }
0x10: {  	[smem:$0x3FB3] =	sst s8  }
0x11: {  	[smem:$0x3FB4] =	sst s9;
	s0 =	simm.s32 @!p0 $0x0  }
0x12: {  	s1 =	sld [smem:$0x3F9A];
	s0 =	simm.s32 @p0 $0x1  }
0x13: {  	[smem:$0x3FB5] =	sst s0;
	s0 =	simm.s32 @!p1 $0x0  }
0x14: {  	s2 =	sld [smem:$0x3F99];
	s0 =	simm.s32 @p1 $0x1  }
0x15: {  	[smem:$0x3FB6] =	sst s0;
	s0 =	simm.s32 @!p2 $0x0  }
0x16: {  	s3 =	sld [smem:$0x3FDB];
	s0 =	simm.s32 @p2 $0x1  }
0x17: {  	s4 =	simm.s32 $0x1BF5;
	[smem:$0x3FB8] =	sst s0  }
0x18: {  	s0 =	sld [smem:$0x3F9B];
	_ =	swait.ge [sflag:s4], $0x0  }
0x19: {  	s7 =	sld [smem:$0x3F9C]  }
0x1a: {  	s8 =	sadd.s32 $0xFFFFE003, lr  }
0x1b: {  	s9 =	sadd.s32 $0xFFFFFEF7, lr;
	s5 =	simm.s32 $0xFFFFFFFF;
	p2 =	slt.u32 s8, $0xFFFFF086  }
0x1c: {  	p1 =	slt.u32 s9, $0xF7A;
	s5 =	simm.s32 @!p2 $0x0  }
0x1d: {  	s5 =	simm.s32 @p1 $0x1;
	p0 =	seq.s32 s7, s2  }
0x1e: {  	s7 =	smul.u32 @!p0 $0xF7A, s2;
	p2 =	seq.s32 @!p0 s5, $0x0  }
0x1f: {  	s9 =	smul.u32 $0xF7A, s1;
	s8 =	simm.s32 @!p0 $0x1BF5;
	p2 =	por !p2, p0  }
0x20: {  	[sflag:s8] =	ssyncset.s32 @!p0 $0xFFFFF086;
	s6 =	sadd.s32 @!p0 s3, s7;
	s7 =	simm.s32 @!p0 $0x108  }
0x21: {  	s3 =	sadd.s32 s3, s9;
	s6 =	sadd.s32 @!p0 $0x88, s6;
	s7 =	simm.s32 @p2 $0x1082  }
0x22: {  	[simem:s7], [sflag:s8] =	dma.local @!p0 [hbm:s6], $0xF7A  }
0x23: {  	s9 =	sor.u32 $0xD0000000, s2;
	s6 =	simm.s32 $0x108;
	_ =	swait.ge @!p0 [sflag:s8], $0x0  }
0x24: {  	s3 =	sadd.s32 $0x88, s3;
	s6 =	simm.s32 @!p1 $0x1082;
	[sflag:s4] =	ssyncset.s32 $0xFFFFF086  }
0x25: {  	[simem:s6], [sflag:s4] =	dma.local [hbm:s3], $0xF7A  }
0x26: {  	[smem:$0x3F9C] =	sst s1;
	(tag) =	ssettag s2;
	_ =	strace s9  }
0x27: {  	s1 =	sld [smem:$0x3FAC]  }
0x28: {  	s2 =	sld [smem:$0x3FAD]  }
0x29: {  	s4 =	sld [smem:$0x3FAF]  }
0x2a: {  	p0 =	seq.s32 s5, $0x0;
	s5 =	sld [smem:$0x3FB0]  }
0x2b: {  	s6 =	sld [smem:$0x3FB1]  }
0x2c: {  	s7 =	sld [smem:$0x3FB2]  }
0x2d: {  	s3 =	simm.s32 $0x108;
	s8 =	sld [smem:$0x3FB3]  }
0x2e: {  	s3 =	simm.s32 @!p0 $0x1082;
	s9 =	sld [smem:$0x3FB4]  }
0x2f: {  	lr =	sadd.s32 s0, s3;
	s0 =	sld [smem:$0x3FAB]  }
0x30: {  	s3 =	sld [smem:$0x3FAE]  }
0x31: {  	[smem:$0x3FB7] =	sst s10  }
0x32: {  	s10 =	sld [smem:$0x3FB5];
	_ =	sdelay $0x3  }
0x33: {  	p0 =	seq.s32 s10, $0x1;
	s10 =	sld [smem:$0x3FB7];
	_ =	sdelay $0x3  }
0x34: {  	[smem:$0x3FB7] =	sst s10  }
0x35: {  	s10 =	sld [smem:$0x3FB6];
	_ =	sdelay $0x3  }
0x36: {  	p1 =	seq.s32 s10, $0x1;
	s10 =	sld [smem:$0x3FB7];
	_ =	sdelay $0x3  }
0x37: {  	[smem:$0x3FB7] =	sst s10  }
0x38: {  	s10 =	sld [smem:$0x3FB8]  }
0x39: {  	_ = 	snop;
	(pc) =	sbr.ind lr, $3  }
0x3a: {  	_ = 	snop  }
0x3b: {  	_ = 	snop  }
0x3c: {  	p2 =	seq.s32 s10, $0x1;
	s10 =	sld [smem:$0x3FB7]  }
0x3d: {  	_ =	shalt  }
0x3e: {  	_ =	shalt  }
0x3f: {  	_ =	shalt  }
0x40: {  	_ =	shalt  }
0x41: {  	_ =	shalt  }
0x42: {  	_ =	shalt  }
0x43: {  	_ =	shalt  }
0x44: {  	_ =	shalt  }
0x45: {  	_ =	shalt  }
0x46: {  	_ =	shalt  }
0x47: {  	_ =	shalt  }
0x48: {  	_ =	shalt  }
0x49: {  	_ =	shalt  }
0x4a: {  	_ =	shalt  }
0x4b: {  	_ =	shalt  }
0x4c: {  	_ =	shalt  }
0x4d: {  	_ =	shalt  }
0x4e: {  	_ =	shalt  }
0x4f: {  	_ =	shalt  }
0x50: {  	_ =	shalt  }
0x51: {  	_ =	shalt  }
0x52: {  	_ =	shalt  }
0x53: {  	_ =	shalt  }
0x54: {  	_ =	shalt  }
0x55: {  	_ =	shalt  }
0x56: {  	_ =	shalt  }
0x57: {  	_ =	shalt  }
0x58: {  	_ =	shalt  }
0x59: {  	_ =	shalt  }
0x5a: {  	_ =	shalt  }
0x5b: {  	_ =	shalt  }
0x5c: {  	_ =	shalt  }
0x5d: {  	_ =	shalt  }
0x5e: {  	_ =	shalt  }
0x5f: {  	_ =	shalt  }
0x60: {  	_ =	shalt  }
0x61: {  	_ =	shalt  }
0x62: {  	_ =	shalt  }
0x63: {  	_ =	shalt  }
0x64: {  	_ =	shalt  }
0x65: {  	_ =	shalt  }
0x66: {  	_ =	shalt  }
0x67: {  	_ =	shalt  }
0x68: {  	_ =	shalt  }
0x69: {  	_ =	shalt  }
0x6a: {  	_ =	shalt  }
0x6b: {  	_ =	shalt  }
0x6c: {  	_ =	shalt  }
0x6d: {  	_ =	shalt  }
0x6e: {  	_ =	shalt  }
0x6f: {  	_ =	shalt  }
0x70: {  	_ =	shalt  }
0x71: {  	_ =	shalt  }
0x72: {  	_ =	shalt  }
0x73: {  	_ =	shalt  }
0x74: {  	_ =	shalt  }
0x75: {  	_ =	shalt  }
0x76: {  	_ =	shalt  }
0x77: {  	_ =	shalt  }
0x78: {  	_ =	shalt  }
0x79: {  	_ =	shalt  }
0x7a: {  	_ =	shalt  }
0x7b: {  	_ =	shalt  }
0x7c: {  	_ =	shalt  }
0x7d: {  	_ =	shalt  }
0x7e: {  	_ =	shalt  }
0x7f: {  	_ =	shalt  }
0x80: {  	_ =	shalt  }
0x81: {  	_ =	shalt  }
0x82: {  	_ =	shalt  }
0x83: {  	_ =	shalt  }
0x84: {  	_ =	shalt  }
0x85: {  	_ =	shalt  }
0x86: {  	_ =	shalt  }
0x87: {  	_ =	shalt  }
.Lfunc_end0:
.L_simem_size_0:
called_computation_lowered:
.L_overlay_start_0:
0x88: {  	s2 =	sld [smem:$0x3FD9]  }
0x89: {  	s3 =	sld [smem:$0x3FFE];
	_ =	sdelay $0x1  }
0x8a: {  	s1 =	srdreg.scid  }
0x8b: {  	s0 =	sand.u32 $0x1, s1  }
0x8c: {  	s17 =	sshll.u32 s0, $0xA;
	s2 =	sadd.s32 s3, s2  }
0x8d: {  	s2 =	sadd.s32 s2, s17  }
0x8e: {  	[smem:$0x3FC3] =	sst s2  }
0x8f: {  	_ = 	snop  }
0x90: {  	s2 =	sld [smem:$0x3FC9]  }
0x91: {  	s18 =	sld [smem:$0x3FD0];
	(tm) =	ssettm $0x1  }
0x92: {  	s4 =	sld [smem:$0x3FFB];
	_ =	sdelay $0x3  }
0x93: {  	_ =	strace s4  }
0x94: {  	s4 =	sld [smem:$0x3FFC];
	_ =	sdelay $0x3  }
0x95: {  	_ =	strace s4  }
0x96: {  	s4 =	sld [smem:$0x3FFD];
	_ =	sdelay $0x3  }
0x97: {  	_ =	strace s4  }
0x98: {  	_ =	strace $0x8FFFFFFF  }
0x99: {  	s19 =	sld [smem:$0x3FDB];
	_ =	sdelay $0x1  }
0x9a: {  	s5 =	simm.s32 $_scs_section_size  }
0x9b: {  	s6 =	simm.s32 $_size__tile_overlayer_lowered;
	s7 =	simm.s32 $_tile_overlayer_lowered  }
0x9c: {  	s22 =	simm.s32 $0x1BFF;
	s21 =	sshll.u32 s7, $0x1;
	s4 =	sadd.s32 s5, s19  }
0x9d: {  	s8 =	simm.s32 $0x0;
	s20 =	sshll.u32 s6, $0x1;
	s6 =	sadd.s32 s21, s4  }
0x9e: {  	[timem:s8], [sflag:s22] =	dma.local [hbm:s6], s20  }
0x9f: {  	_ =	swait.ge [sflag:s22], s20  }
0xa0: {  	s5 =	ssub.s32 $0x0, s20;
	[sflag:s22] =	ssyncset.done $0x0  }
0xa1: {  	[sflag:s22] =	ssyncadd.s32 s5;
	_ =	sdelay $0x1  }
0xa2: {  	s23 =	simm.s32 $0x1B8B  }
0xa3: {  	_ =	swait.ge [sflag:s23], $0x1  }
0xa4: {  	[sflag:s23] =	ssyncset.done $0x0  }
0xa5: {  	s25 =	simm.s32 $0x1B8E;
	s24 =	sld [smem:$0x3FFE];
	[sflag:s23] =	ssyncadd.s32 $0xFFFFFFFF  }
0xa6: {  	s26 =	simm.s32 $execute0_lowered;
	[smem:$0x3FD2] =	sst s25  }
0xa7: {  	s6 =	sshll.u32 s26, $0x1;
	_ =	strace $0x80000046;
	[dreg:$0x1] =	wrdreg $0xFFFFFFFF  }
0xa8: {  	s28 =	simm.s32 $_size_execute0_lowered;
	s4 =	sadd.s32 s4, s6;
	[dreg:$0x0] =	wrdreg $0x0  }
0xa9: {  	s6 =	sshll.u32 s28, $0x1;
	[dreg:$0x2] =	wrdreg s4  }
0xaa: {  	[dreg:$0x3] =	wrdreg s6  }
0xab: {  	[dreg:$0x4] =	wrdreg $0xC0  }
0xac: {  	_ =	task [dreg:s8], $0x5FFFF  }
0xad: {  	[dreg:$0x1] =	wrdreg $0xFFFFFFFF  }
0xae: {  	[dreg:$0x0] =	wrdreg $0x60  }
0xaf: {  	[dreg:$0x2] =	wrdreg s18  }
0xb0: {  	[dreg:$0x3] =	wrdreg s24  }
0xb1: {  	[dreg:$0x4] =	wrdreg s2  }
0xb2: {  	[dreg:$0x5] =	wrdreg $0x42800  }
0xb3: {  	[dreg:$0x6] =	wrdreg $0x182800  }
0xb4: {  	[dreg:$0x7] =	wrdreg $0x9  }
0xb5: {  	_ =	task.clear_ibuf [dreg:s8], $0x8FFFF;
	_ =	strace $0x90000046  }
0xb6: {  	s29 =	simm.s32 $0x9;
	_ =	strace $0x80000048  }
0xb7: {  	_ =	swait.ge [sflag:s29], $0x1  }
0xb8: {  	[sflag:s29] =	ssyncadd.s32 $0xFFFFFFFF  }
0xb9: {  	_ =	strace $0x90000048  }
0xba: {  	_ =	sfence  }
0xbb: {  	s30 =	sld [smem:$0x0];
	_ =	sdelay $0x2  }
0xbc: {  	s31 =	sshll.u32 s1, $0xD;
	s1 =	sshrl.u32 s1, $0x2  }
0xbd: {  	s3 =	sand.u32 $0x4000, s31;
	s1 =	sadd.s32 s1, s30  }
0xbe: {  	s0 =	sor.u32 s3, s0;
	s1 =	sshll.u32 s1, $0x11  }
0xbf: {  	s0 =	sor.u32 s1, s0  }
0xc0: {  	s0 =	sadd.s32 $0x8F2B, s0  }
0xc1: {  	[sflag:s0] =	ssyncadd.remote.s32 $0x1  }
0xc2: {  	_ =	sfence.sel $0xFFFF  }
0xc3: {  	[dreg:$0x0] =	wrdreg $0xFFFFFFFF;
	(pc) =	sbr.abs _section_cstart, $3  }
0xc4: {  	[dreg:$0x1] =	wrdreg $0xFFFFFFFF  }
0xc5: {  	_ =	task.clear_ibuf [dreg:s8], $0x2FFFF;
	_ =	strace $0x9FFFFFFF  }
0xc6: {  	(tm) =	ssettm $0x7FFFFFFF  }
0xc7: {  	_ =	shalt  }
tec
execute0_lowered:
.L_overlay_start_1:
0x0: {  	(tag) =	ssettag $0x1  }
0x1: {  	s1 =	rddreg [dreg:$0x0]  }
0x2: {  	s0 =	rddreg [dreg:$0x1]  }
0x3: {  	s2 =	rddreg [dreg:$0x2]  }
0x4: {  	s3 =	rddreg [dreg:$0x3]  }
0x5: {  	s4 =	rddreg [dreg:$0x4]  }
0x6: {  	s6 =	srdreg.scid;
	s5 =	simm.s32 $0x0;
	s23 =	stileid.u32  }
0x7: {  	s28 =	simm.s32 $0x200;
	s29 =	simm.s32 $0x4200;
	s30 =	simm.s32 $0x1  }
0x8: {  	s31 =	simm.s32 $0x0;
	s6 =	sand.u32 $0x1, s6;
	[smem:$0x7FF] =	sst s5  }
0x9: {  	s7 =	sadd.s32 $0x1000, s0;
	s8 =	sadd.s32 $0xAE00, s0;
	s15 =	smul.u32 $0x280, s23  }
0xa: {  	s10 =	sshll.u32 s23, $0x1;
	s9 =	smul.u32 $0x28000, s6;
	_ =	strace $0x80000047  }
0xb: {  	s18 =	ssub.s32 $0x2, s6;
	s10 =	sor.u32 s6, s10;
	s6 =	smul.u32 $0x2800, s6  }
0xc: {  	s12 =	sshrl.u32 s18, $0x1;
	s19 =	sshrl.u32 s15, $0x3;
	s16 =	sadd.s32 $0x80, s15  }
0xd: {  	s17 =	sadd.s32 $0x100, s15;
	s11 =	sadd.s32 s9, s0;
	s0 =	sadd.s32 $0xB400, s0  }
0xe: {  	s12 =	ssub.s32 s18, s12;
	s9 =	smul.u32 $0x4F, s10;
	s10 =	sadd.s32 s8, s19  }
0xf: {  	s20 =	sshrl.u32 s16, $0x3;
	s13 =	sshrl.u32 s17, $0x3;
	s18 =	sadd.s32 $0x180, s15  }
0x10: {  	s19 =	sadd.s32 $0x200, s15;
	s21 =	sadd.s32 s6, s15;
	s16 =	sadd.s32 s6, s16  }
0x11: {  	s22 =	sadd.s32 s6, s17;
	s12 =	smax.u32 s12, $0x1;
	s13 =	sadd.s32 s8, s13  }
0x12: {  	s14 =	sshrl.u32 s18, $0x3;
	s21 =	sshrl.u32 s21, $0x3;
	s16 =	sshrl.u32 s16, $0x3  }
0x13: {  	s24 =	sshrl.u32 s22, $0x3;
	s18 =	sadd.s32 s6, s18;
	s6 =	sadd.s32 s6, s19  }
0x14: {  	s22 =	smul.u32 $0x2800, s23;
	[dreg:$0x6] =	wrdreg s12;
	s12 =	sadd.s32 s8, s20  }
0x15: {  	s14 =	sadd.s32 s8, s14;
	s20 =	sshrl.u32 s19, $0x3;
	s16 =	sadd.s32 s0, s16  }
0x16: {  	s25 =	sshrl.u32 s18, $0x3;
	s18 =	sadd.s32 s0, s24;
	s6 =	sshrl.u32 s6, $0x3  }
0x17: {  	s24 =	simm.s32 $0x2;
	s15 =	sadd.s32 s8, s20;
	s20 =	sadd.s32 s0, s21  }
0x18: {  	[dreg:$0x8] =	wrdreg s16;
	s19 =	sadd.s32 s0, s25;
	s21 =	smul.u32 $0x14000, s23  }
0x19: {  	s26 =	sadd.s32 s22, s11;
	s25 =	simm.s32 $0x80;
	[dreg:$0x7] =	wrdreg s20  }
0x1a: {  	v0 =	vimm.f32 $0.0e+00;
	v1 =	vimm.f32 $1.000000000e+00;
	s20 =	sadd.s32 s0, s6;
	s22 =	sadd.s32 $0xBE00, s26;
	s26 =	simm.s32 $0x100  }
.LBB2_1:
0x1b: {  	s0 =	simm.s32 $0x180  }
0x1c: {  	[tilespmem:s0], [sflag:$0x2] =	stream.linear.gather [hbm4b:s8+s5], $0x80, $0x38;
	[tilespmem:$0x18500] =	vst v63  }
0x1d: {  	_ =	swait.ge [sflag:s24], $0x80  }
0x1e: {  	[sflag:s24] =	ssyncset.done $0x0  }
0x1f: {  	s6 =	simm.s32 $0x200;
	s0 =	simm.s32 $0x0;
	[sflag:s24] =	ssyncadd.s32 $0xFFFFFF80  }
.LBB2_2:
0x20: {  	p0 =	sne.s32 s6, $0xFE00;
	[tilespmem:s0+$0x270] =	vst v0  }
0x21: {  	[tilespmem:s0+$0x200] =	vst v0  }
0x22: {  	[tilespmem:s0+$0x210] =	vst v0  }
.Ltmp0:
0x23: {  	[tilespmem:s0+$0x220] =	vst v0;
	(pc) =	sbr.rel @p0 .LBB2_2-.Ltmp0, $4  }
0x24: {  	[tilespmem:s0+$0x230] =	vst v0  }
0x25: {  	[tilespmem:s0+$0x240] =	vst v0  }
0x26: {  	[tilespmem:s0+$0x250] =	vst v0  }
0x27: {  	[tilespmem:s0+$0x260] =	vst v0;
	s0 =	sshra.s32 s6, $0x2;
	s6 =	sadd.s32 $0x200, s6  }
0x28: {  	[tilespmem:s0+$0x270] =	vst v0  }
0x29: {  	[tilespmem:s0+$0x200] =	vst v0  }
0x2a: {  	[tilespmem:s0+$0x210] =	vst v0  }
0x2b: {  	[tilespmem:s0+$0x220] =	vst v0  }
0x2c: {  	[tilespmem:s0+$0x230] =	vst v0  }
0x2d: {  	[tilespmem:s0+$0x240] =	vst v0  }
0x2e: {  	[tilespmem:s0+$0x250] =	vst v0  }
0x2f: {  	[tilespmem:s0+$0x260] =	vst v0  }
0x30: {  	[tilespmem:$0x4200] =	vst v0  }
0x31: {  	[tilespmem:$0x4210] =	vst v0  }
0x32: {  	[tilespmem:$0x4220] =	vst v0;
	v2 =	vld [tilespmem:$0x1A0]  }
0x33: {  	[tilespmem:$0x4230] =	vst v0;
	v3 =	vld [tilespmem:$0x1F0]  }
0x34: {  	[tilespmem:$0x4240] =	vst v0;
	v4 =	vld [tilespmem:$0x1E0]  }
0x35: {  	[tilespmem:$0x4250] =	vst v0;
	v7 =	vld [tilespmem:$0x1C0]  }
0x36: {  	s23 =	sadd.s32 $0x0, s21;
	v5 =	vld [tilespmem:$0x190];
	[tilespmem:$0x4260] =	vst v0  }
0x37: {  	v6 =	vld [tilespmem:$0x1D0];
	[tilespmem:$0x4270] =	vst v0;
	v2 =	vadd.s32 s23, v2  }
0x38: {  	v8 =	vld [tilespmem:$0x180];
	v3 =	vadd.s32 s23, v3;
	[tilespmem:$0x120] =	vst v2  }
0x39: {  	v4 =	vadd.s32 s23, v4;
	v2 =	vld [tilespmem:$0x1B0];
	[tilespmem:$0x170] =	vst v3  }
0x3a: {  	v63 =	vadd.s32 s23, v7;
	[tilespmem:$0x160] =	vst v4  }
0x3b: {  	v3 =	vadd.s32 s23, v5;
	[tilespmem:$0x140] =	vst v63  }
0x3c: {  	[tilespmem:$0x110] =	vst v3;
	v3 =	vadd.s32 s23, v6  }
0x3d: {  	[tilespmem:$0x150] =	vst v3;
	v3 =	vadd.s32 s23, v8  }
0x3e: {  	[tilespmem:$0x100] =	vst v3;
	v2 =	vadd.s32 s23, v2  }
0x3f: {  	[tilespmem:$0x130] =	vst v2  }
0x40: {  	[spmem:s3] =	stream.indirect.scatter [tilespmem:s28], [sflag:$0x2], $0x1, s26, s25, $0xb8;
	[tilespmem:$0x18500] =	vst v63  }
0x41: {  	_ =	swait.ge [sflag:s24], $0x80  }
0x42: {  	s0 =	simm.s32 $0x80;
	[sflag:s24] =	ssyncset.done $0x0  }
.LBB2_4:
0x43: {  	p0 =	sne.s32 s0, $0x13F80  }
0x44: {  	[sflag:s24] =	ssyncadd.s32 $0xFFFFFF80;
	s6 =	smov.u32 s0;
	s0 =	sadd.s32 $0x80, s0  }
0x45: {  	v2 =	vld [tilespmem:$0x1F0]  }
0x46: {  	v3 =	vld [tilespmem:$0x1A0]  }
0x47: {  	v4 =	vld [tilespmem:$0x190]  }
0x48: {  	v5 =	vld [tilespmem:$0x1E0];
	_ =	sdelay $0x1  }
0x49: {  	s6 =	sadd.s32 s6, s21;
	v6 =	vld [tilespmem:$0x1D0]  }
0x4a: {  	v3 =	vadd.s32 s6, v3;
	v7 =	vld [tilespmem:$0x1C0]  }
0x4b: {  	v2 =	vadd.s32 s6, v2;
	v4 =	vadd.s32 s6, v4;
	[tilespmem:$0x120] =	vst v3;
	v3 =	vld [tilespmem:$0x1B0]  }
0x4c: {  	v8 =	vld [tilespmem:$0x180];
	v5 =	vadd.s32 s6, v5;
	[tilespmem:$0x170] =	vst v2  }
0x4d: {  	[tilespmem:$0x160] =	vst v5  }
0x4e: {  	[tilespmem:$0x110] =	vst v4;
	v2 =	vadd.s32 s6, v6  }
0x4f: {  	v4 =	vadd.s32 s6, v7;
	[tilespmem:$0x150] =	vst v2  }
0x50: {  	v2 =	vadd.s32 s6, v3;
	[tilespmem:$0x140] =	vst v4  }
.Ltmp1:
0x51: {  	v3 =	vadd.s32 s6, v8;
	[tilespmem:$0x130] =	vst v2;
	(pc) =	sbr.rel @p0 .LBB2_4-.Ltmp1, $4  }
0x52: {  	[tilespmem:$0x100] =	vst v3  }
0x53: {  	[spmem:s3] =	stream.indirect.scatter [tilespmem:s28], [sflag:$0x2], $0x1, s26, s25, $0xb8;
	[tilespmem:$0x18500] =	vst v63  }
0x54: {  	_ =	swait.ge [sflag:s24], $0x80  }
0x55: {  	[sflag:s24] =	ssyncset.done $0x0  }
0x56: {  	[sflag:s24] =	ssyncadd.s32 $0xFFFFFF80;
	s0 =	simm.s32 $0x0  }
0x57: {  	[tilespmem:s25], [sflag:$0x2] =	stream.linear.gather [hbm4b:s10+s0], $0x80, $0x38;
	[tilespmem:$0x18500] =	vst v63  }
0x58: {  	_ =	swait.ge [sflag:s24], $0x80  }
0x59: {  	[sflag:s24] =	ssyncset.done $0x0  }
0x5a: {  	[sflag:s24] =	ssyncadd.s32 $0xFFFFFF80  }
0x5b: {  	[spmem:s4] =	stream.indirect.scatter [tilespmem:s29], [sflag:$0x2], $0x1, s25, s25, $0xb8;
	[tilespmem:$0x18500] =	vst v63  }
0x5c: {  	_ =	swait.ge [sflag:s24], $0x80  }
0x5d: {  	[sflag:s24] =	ssyncset.done $0x0  }
0x5e: {  	[sflag:s24] =	ssyncadd.s32 $0xFFFFFF80  }
0x5f: {  	[tilespmem:s25], [sflag:$0x2] =	stream.linear.gather [hbm4b:s12+s0], $0x80, $0x38;
	[tilespmem:$0x18500] =	vst v63  }
0x60: {  	_ =	swait.ge [sflag:s24], $0x80  }
0x61: {  	[sflag:s24] =	ssyncset.done $0x0  }
0x62: {  	[sflag:s24] =	ssyncadd.s32 $0xFFFFFF80  }
0x63: {  	[spmem:s4] =	stream.indirect.scatter [tilespmem:s29], [sflag:$0x2], $0x1, s25, s25, $0xb8;
	[tilespmem:$0x18500] =	vst v63  }
0x64: {  	_ =	swait.ge [sflag:s24], $0x80  }
0x65: {  	[sflag:s24] =	ssyncset.done $0x0  }
0x66: {  	[sflag:s24] =	ssyncadd.s32 $0xFFFFFF80  }
0x67: {  	[tilespmem:s25], [sflag:$0x2] =	stream.linear.gather [hbm4b:s13+s0], $0x80, $0x38;
	[tilespmem:$0x18500] =	vst v63  }
0x68: {  	_ =	swait.ge [sflag:s24], $0x80  }
0x69: {  	[sflag:s24] =	ssyncset.done $0x0  }
0x6a: {  	[sflag:s24] =	ssyncadd.s32 $0xFFFFFF80  }
0x6b: {  	[spmem:s4] =	stream.indirect.scatter [tilespmem:s29], [sflag:$0x2], $0x1, s25, s25, $0xb8;
	[tilespmem:$0x18500] =	vst v63  }
0x6c: {  	_ =	swait.ge [sflag:s24], $0x80  }
0x6d: {  	[sflag:s24] =	ssyncset.done $0x0  }
0x6e: {  	[sflag:s24] =	ssyncadd.s32 $0xFFFFFF80  }
0x6f: {  	[tilespmem:s25], [sflag:$0x2] =	stream.linear.gather [hbm4b:s14+s0], $0x80, $0x38;
	[tilespmem:$0x18500] =	vst v63  }
0x70: {  	_ =	swait.ge [sflag:s24], $0x80  }
0x71: {  	[sflag:s24] =	ssyncset.done $0x0  }
0x72: {  	[sflag:s24] =	ssyncadd.s32 $0xFFFFFF80  }
0x73: {  	[spmem:s4] =	stream.indirect.scatter [tilespmem:s29], [sflag:$0x2], $0x1, s25, s25, $0xb8;
	[tilespmem:$0x18500] =	vst v63  }
0x74: {  	_ =	swait.ge [sflag:s24], $0x80  }
0x75: {  	[sflag:s24] =	ssyncset.done $0x0  }
0x76: {  	[sflag:s24] =	ssyncadd.s32 $0xFFFFFF80  }
0x77: {  	[tilespmem:s25], [sflag:$0x2] =	stream.linear.gather [hbm4b:s15+s0], $0x80, $0x38;
	[tilespmem:$0x18500] =	vst v63  }
0x78: {  	_ =	swait.ge [sflag:s24], $0x80  }
0x79: {  	[sflag:s24] =	ssyncset.done $0x0  }
0x7a: {  	[sflag:s24] =	ssyncadd.s32 $0xFFFFFF80  }
0x7b: {  	[spmem:s4] =	stream.indirect.scatter [tilespmem:s29], [sflag:$0x2], $0x1, s25, s25, $0xb8;
	[tilespmem:$0x18500] =	vst v63  }
0x7c: {  	_ =	swait.ge [sflag:s24], $0x80  }
0x7d: {  	[sflag:s24] =	ssyncset.done $0x0  }
0x7e: {  	[sflag:s24] =	ssyncadd.s32 $0xFFFFFF80  }
0x7f: {  	[tilespmem:$0x4200] =	vst v1  }
0x80: {  	[tilespmem:$0x4210] =	vst v1  }
0x81: {  	[tilespmem:$0x4220] =	vst v1  }
0x82: {  	[tilespmem:$0x4230] =	vst v1  }
0x83: {  	[tilespmem:$0x4240] =	vst v1  }
0x84: {  	[tilespmem:$0x4250] =	vst v1  }
0x85: {  	[tilespmem:$0x4260] =	vst v1  }
0x86: {  	[tilespmem:$0x4270] =	vst v1  }
0x87: {  	s6 =	simm.s32 $0x0;
	[bflag:$0x0] =	sbarrier.arrive $0xFFFF  }
.LBB2_6:
0x88: {  	s11 =	sadd.s32 s9, s6  }
0x89: {  	s11 =	sshll.u32 s11, $0x4  }
0x8a: {  	s16 =	sadd.s32 s1, s11  }
0x8b: {  	[tilespmem:s0], [sflag:$0x2] =	stream.linear.gather [hbm4b:s16+s0], $0x80, $0x38;
	[tilespmem:$0x18500] =	vst v63  }
0x8c: {  	_ =	swait.ge [sflag:s24], $0x80  }
0x8d: {  	[sflag:s24] =	ssyncset.done $0x0  }
0x8e: {  	s23 =	simm.s32 $0x80;
	s11 =	sadd.s32 s7, s11;
	[sflag:s24] =	ssyncadd.s32 $0xFFFFFF80  }
0x8f: {  	[tilespmem:s23], [sflag:$0x2] =	stream.linear.gather [hbm4b:s11+s0], $0x80, $0x38;
	[tilespmem:$0x18500] =	vst v63  }
0x90: {  	_ =	swait.ge [sflag:s24], $0x80  }
0x91: {  	[sflag:s24] =	ssyncset.done $0x0  }
0x92: {  	[sflag:s24] =	ssyncadd.s32 $0xFFFFFF80  }
0x93: {  	[tilespmem:s28], [sflag:$0x1] =	stream.indirect.gather [hbm4b:s2+s23], $0x80, s0, s23, $0xb8;
	[tilespmem:$0x18500] =	vst v63  }
0x94: {  	_ =	swait.ge [sflag:s30], $0x4000  }
0x95: {  	[sflag:s30] =	ssyncset.done $0x0  }
0x96: {  	[sflag:s30] =	ssyncadd.s32 $0xFFFFC000  }
0x97: {  	[spmem:s4] =	stream.indirect.scatter.add.f32 [tilespmem:s29], [sflag:$0x2], $0x1, s23, s23, $0xb8;
	[tilespmem:$0x18500] =	vst v63  }
0x98: {  	_ =	swait.ge [sflag:s24], $0x80  }
0x99: {  	[sflag:s24] =	ssyncset.done $0x0  }
0x9a: {  	s11 =	simm.s32 $0x0;
	[sflag:s24] =	ssyncadd.s32 $0xFFFFFF80  }
.LBB2_7:
0x9b: {  	v2 =	vld [tilespmem:s23+$0x0];
	_ =	sdelay $0x2  }
0x9c: {  	v3 =	vld [tilespmem:$0x180]  }
0x9d: {  	v4 =	vld [tilespmem:$0x190]  }
0x9e: {  	v5 =	vld [tilespmem:$0x1A0];
	v2 =	vshll.u32 v2, $0x7  }
0x9f: {  	v7 =	vld [tilespmem:$0x1B0];
	v6 =	vbroadcast v2, $0x0  }
0xa0: {  	v8 =	vld [tilespmem:$0x1C0]  }
0xa1: {  	v9 =	vld [tilespmem:$0x1D0];
	v3 =	vadd.s32 v6, v3  }
0xa2: {  	v49 =	vld [tilespmem:$0x1E0];
	[tilespmem:$0x100] =	vst v3;
	v3 =	vadd.s32 v6, v4  }
0xa3: {  	v50 =	vld [tilespmem:$0x1F0];
	[tilespmem:$0x110] =	vst v3;
	v3 =	vadd.s32 v6, v5  }
0xa4: {  	[tilespmem:$0x120] =	vst v3;
	v3 =	vadd.s32 v6, v7  }
0xa5: {  	[tilespmem:$0x130] =	vst v3;
	v3 =	vadd.s32 v6, v8  }
0xa6: {  	[tilespmem:$0x140] =	vst v3;
	v3 =	vadd.s32 v6, v9  }
0xa7: {  	[tilespmem:$0x150] =	vst v3;
	v3 =	vadd.s32 v6, v49  }
0xa8: {  	s16 =	sshra.s32 s11, $0x2;
	[tilespmem:$0x160] =	vst v3;
	v3 =	vadd.s32 v6, v50  }
0xa9: {  	s17 =	sadd.s32 $0x200, s16;
	[tilespmem:$0x170] =	vst v3  }
0xaa: {  	[spmem:s3] =	stream.indirect.scatter.add.f32 [tilespmem:s17], [sflag:$0x2], $0x1, s26, s25, $0xb8;
	[tilespmem:$0x18500] =	vst v63  }
0xab: {  	_ =	swait.ge [sflag:s24], $0x80  }
0xac: {  	[sflag:s24] =	ssyncset.done $0x0  }
0xad: {  	[sflag:s24] =	ssyncadd.s32 $0xFFFFFF80  }
0xae: {  	v3 =	vld [tilespmem:$0x180]  }
0xaf: {  	v51 =	vld [tilespmem:$0x190]  }
0xb0: {  	v52 =	vld [tilespmem:$0x1A0]  }
0xb1: {  	v53 =	vbroadcast v2, $0x1;
	v54 =	vld [tilespmem:$0x1B0]  }
0xb2: {  	v55 =	vld [tilespmem:$0x1C0]  }
0xb3: {  	v56 =	vld [tilespmem:$0x1D0];
	v3 =	vadd.s32 v53, v3  }
0xb4: {  	v57 =	vld [tilespmem:$0x1E0];
	[tilespmem:$0x100] =	vst v3;
	v3 =	vadd.s32 v53, v51  }
0xb5: {  	v58 =	vld [tilespmem:$0x1F0];
	[tilespmem:$0x110] =	vst v3;
	v3 =	vadd.s32 v53, v52  }
0xb6: {  	[tilespmem:$0x120] =	vst v3;
	v3 =	vadd.s32 v53, v54  }
0xb7: {  	[tilespmem:$0x130] =	vst v3;
	v3 =	vadd.s32 v53, v55  }
0xb8: {  	[tilespmem:$0x140] =	vst v3;
	v3 =	vadd.s32 v53, v56  }
0xb9: {  	[tilespmem:$0x150] =	vst v3;
	v3 =	vadd.s32 v53, v57  }
0xba: {  	[tilespmem:$0x160] =	vst v3;
	v3 =	vadd.s32 v53, v58  }
0xbb: {  	s17 =	sadd.s32 $0x280, s16;
	[tilespmem:$0x170] =	vst v3  }
0xbc: {  	[spmem:s3] =	stream.indirect.scatter.add.f32 [tilespmem:s17], [sflag:$0x2], $0x1, s26, s25, $0xb8;
	[tilespmem:$0x18500] =	vst v63  }
0xbd: {  	_ =	swait.ge [sflag:s24], $0x80  }
0xbe: {  	[sflag:s24] =	ssyncset.done $0x0  }
0xbf: {  	[sflag:s24] =	ssyncadd.s32 $0xFFFFFF80  }
0xc0: {  	v3 =	vld [tilespmem:$0x180]  }
0xc1: {  	v59 =	vld [tilespmem:$0x190]  }
0xc2: {  	v60 =	vld [tilespmem:$0x1A0]  }
0xc3: {  	v61 =	vbroadcast v2, $0x2;
	v62 =	vld [tilespmem:$0x1B0]  }
0xc4: {  	v63 =	vld [tilespmem:$0x1C0]  }
0xc5: {  	v12 =	vld [tilespmem:$0x1D0];
	v3 =	vadd.s32 v61, v3  }
0xc6: {  	v13 =	vld [tilespmem:$0x1E0];
	[tilespmem:$0x100] =	vst v3;
	v3 =	vadd.s32 v61, v59  }
0xc7: {  	v14 =	vld [tilespmem:$0x1F0];
	[tilespmem:$0x110] =	vst v3;
	v3 =	vadd.s32 v61, v60  }
0xc8: {  	[tilespmem:$0x120] =	vst v3;
	v3 =	vadd.s32 v61, v62  }
0xc9: {  	[tilespmem:$0x130] =	vst v3;
	v3 =	vadd.s32 v61, v63  }
0xca: {  	[tilespmem:$0x140] =	vst v3;
	v3 =	vadd.s32 v61, v12  }
0xcb: {  	[tilespmem:$0x150] =	vst v3;
	v3 =	vadd.s32 v61, v13  }
0xcc: {  	[tilespmem:$0x160] =	vst v3;
	v3 =	vadd.s32 v61, v14  }
0xcd: {  	s17 =	sadd.s32 $0x300, s16;
	[tilespmem:$0x170] =	vst v3  }
0xce: {  	[spmem:s3] =	stream.indirect.scatter.add.f32 [tilespmem:s17], [sflag:$0x2], $0x1, s26, s25, $0xb8;
	[tilespmem:$0x18500] =	vst v63  }
0xcf: {  	_ =	swait.ge [sflag:s24], $0x80  }
0xd0: {  	[sflag:s24] =	ssyncset.done $0x0  }
0xd1: {  	[sflag:s24] =	ssyncadd.s32 $0xFFFFFF80  }
0xd2: {  	v3 =	vld [tilespmem:$0x180]  }
0xd3: {  	v15 =	vld [tilespmem:$0x190]  }
0xd4: {  	v16 =	vld [tilespmem:$0x1A0]  }
0xd5: {  	v17 =	vbroadcast v2, $0x3;
	v18 =	vld [tilespmem:$0x1B0]  }
0xd6: {  	v19 =	vld [tilespmem:$0x1C0]  }
0xd7: {  	v20 =	vld [tilespmem:$0x1D0];
	v3 =	vadd.s32 v17, v3  }
0xd8: {  	v21 =	vld [tilespmem:$0x1E0];
	[tilespmem:$0x100] =	vst v3;
	v3 =	vadd.s32 v17, v15  }
0xd9: {  	v22 =	vld [tilespmem:$0x1F0];
	[tilespmem:$0x110] =	vst v3;
	v3 =	vadd.s32 v17, v16  }
0xda: {  	[tilespmem:$0x120] =	vst v3;
	v3 =	vadd.s32 v17, v18  }
0xdb: {  	[tilespmem:$0x130] =	vst v3;
	v3 =	vadd.s32 v17, v19  }
0xdc: {  	[tilespmem:$0x140] =	vst v3;
	v3 =	vadd.s32 v17, v20  }
0xdd: {  	[tilespmem:$0x150] =	vst v3;
	v3 =	vadd.s32 v17, v21  }
0xde: {  	[tilespmem:$0x160] =	vst v3;
	v3 =	vadd.s32 v17, v22  }
0xdf: {  	s17 =	sadd.s32 $0x380, s16;
	[tilespmem:$0x170] =	vst v3  }
0xe0: {  	[spmem:s3] =	stream.indirect.scatter.add.f32 [tilespmem:s17], [sflag:$0x2], $0x1, s26, s25, $0xb8;
	[tilespmem:$0x18500] =	vst v63  }
0xe1: {  	_ =	swait.ge [sflag:s24], $0x80  }
0xe2: {  	[sflag:s24] =	ssyncset.done $0x0  }
0xe3: {  	[sflag:s24] =	ssyncadd.s32 $0xFFFFFF80  }
0xe4: {  	v3 =	vld [tilespmem:$0x180]  }
0xe5: {  	v23 =	vld [tilespmem:$0x190]  }
0xe6: {  	v24 =	vld [tilespmem:$0x1A0]  }
0xe7: {  	v25 =	vbroadcast v2, $0x4;
	v26 =	vld [tilespmem:$0x1B0]  }
0xe8: {  	v27 =	vld [tilespmem:$0x1C0]  }
0xe9: {  	v28 =	vld [tilespmem:$0x1D0];
	v3 =	vadd.s32 v25, v3  }
0xea: {  	v29 =	vld [tilespmem:$0x1E0];
	[tilespmem:$0x100] =	vst v3;
	v3 =	vadd.s32 v25, v23  }
0xeb: {  	v30 =	vld [tilespmem:$0x1F0];
	[tilespmem:$0x110] =	vst v3;
	v3 =	vadd.s32 v25, v24  }
0xec: {  	[tilespmem:$0x120] =	vst v3;
	v3 =	vadd.s32 v25, v26  }
0xed: {  	[tilespmem:$0x130] =	vst v3;
	v3 =	vadd.s32 v25, v27  }
0xee: {  	[tilespmem:$0x140] =	vst v3;
	v3 =	vadd.s32 v25, v28  }
0xef: {  	[tilespmem:$0x150] =	vst v3;
	v3 =	vadd.s32 v25, v29  }
0xf0: {  	[tilespmem:$0x160] =	vst v3;
	v3 =	vadd.s32 v25, v30  }
0xf1: {  	s17 =	sadd.s32 $0x400, s16;
	[tilespmem:$0x170] =	vst v3  }
0xf2: {  	[spmem:s3] =	stream.indirect.scatter.add.f32 [tilespmem:s17], [sflag:$0x2], $0x1, s26, s25, $0xb8;
	[tilespmem:$0x18500] =	vst v63  }
0xf3: {  	_ =	swait.ge [sflag:s24], $0x80  }
0xf4: {  	[sflag:s24] =	ssyncset.done $0x0  }
0xf5: {  	[sflag:s24] =	ssyncadd.s32 $0xFFFFFF80  }
0xf6: {  	v3 =	vld [tilespmem:$0x180]  }
0xf7: {  	v31 =	vld [tilespmem:$0x190]  }
0xf8: {  	v32 =	vld [tilespmem:$0x1A0]  }
0xf9: {  	v33 =	vbroadcast v2, $0x5;
	v34 =	vld [tilespmem:$0x1B0]  }
0xfa: {  	v35 =	vld [tilespmem:$0x1C0]  }
0xfb: {  	v36 =	vld [tilespmem:$0x1D0];
	v3 =	vadd.s32 v33, v3  }
0xfc: {  	v37 =	vld [tilespmem:$0x1E0];
	[tilespmem:$0x100] =	vst v3;
	v3 =	vadd.s32 v33, v31  }
0xfd: {  	v38 =	vld [tilespmem:$0x1F0];
	[tilespmem:$0x110] =	vst v3;
	v3 =	vadd.s32 v33, v32  }
0xfe: {  	[tilespmem:$0x120] =	vst v3;
	v3 =	vadd.s32 v33, v34  }
0xff: {  	[tilespmem:$0x130] =	vst v3;
	v3 =	vadd.s32 v33, v35  }
0x100: {  	[tilespmem:$0x140] =	vst v3;
	v3 =	vadd.s32 v33, v36  }
0x101: {  	[tilespmem:$0x150] =	vst v3;
	v3 =	vadd.s32 v33, v37  }
0x102: {  	[tilespmem:$0x160] =	vst v3;
	v3 =	vadd.s32 v33, v38  }
0x103: {  	s17 =	sadd.s32 $0x480, s16;
	[tilespmem:$0x170] =	vst v3  }
0x104: {  	[spmem:s3] =	stream.indirect.scatter.add.f32 [tilespmem:s17], [sflag:$0x2], $0x1, s26, s25, $0xb8;
	[tilespmem:$0x18500] =	vst v63  }
0x105: {  	_ =	swait.ge [sflag:s24], $0x80  }
0x106: {  	[sflag:s24] =	ssyncset.done $0x0  }
0x107: {  	[sflag:s24] =	ssyncadd.s32 $0xFFFFFF80  }
0x108: {  	v3 =	vld [tilespmem:$0x180]  }
0x109: {  	v39 =	vld [tilespmem:$0x190]  }
0x10a: {  	v40 =	vld [tilespmem:$0x1A0]  }
0x10b: {  	v41 =	vbroadcast v2, $0x6;
	v42 =	vld [tilespmem:$0x1B0]  }
0x10c: {  	v43 =	vld [tilespmem:$0x1C0]  }
0x10d: {  	v44 =	vld [tilespmem:$0x1D0];
	v3 =	vadd.s32 v41, v3  }
0x10e: {  	v45 =	vld [tilespmem:$0x1E0];
	[tilespmem:$0x100] =	vst v3;
	v3 =	vadd.s32 v41, v39  }
0x10f: {  	v46 =	vld [tilespmem:$0x1F0];
	[tilespmem:$0x110] =	vst v3;
	v3 =	vadd.s32 v41, v40  }
0x110: {  	[tilespmem:$0x120] =	vst v3;
	v3 =	vadd.s32 v41, v42  }
0x111: {  	[tilespmem:$0x130] =	vst v3;
	v3 =	vadd.s32 v41, v43  }
0x112: {  	[tilespmem:$0x140] =	vst v3;
	v3 =	vadd.s32 v41, v44  }
0x113: {  	[tilespmem:$0x150] =	vst v3;
	v3 =	vadd.s32 v41, v45  }
0x114: {  	[tilespmem:$0x160] =	vst v3;
	v3 =	vadd.s32 v41, v46  }
0x115: {  	s17 =	sadd.s32 $0x500, s16;
	[tilespmem:$0x170] =	vst v3  }
0x116: {  	[spmem:s3] =	stream.indirect.scatter.add.f32 [tilespmem:s17], [sflag:$0x2], $0x1, s26, s25, $0xb8;
	[tilespmem:$0x18500] =	vst v63  }
0x117: {  	_ =	swait.ge [sflag:s24], $0x80  }
0x118: {  	[sflag:s24] =	ssyncset.done $0x0  }
0x119: {  	[sflag:s24] =	ssyncadd.s32 $0xFFFFFF80  }
0x11a: {  	v3 =	vld [tilespmem:$0x180]  }
0x11b: {  	v47 =	vld [tilespmem:$0x190]  }
0x11c: {  	v48 =	vld [tilespmem:$0x1A0]  }
0x11d: {  	v49 =	vbroadcast v2, $0x7;
	v50 =	vld [tilespmem:$0x1B0]  }
0x11e: {  	v51 =	vld [tilespmem:$0x1C0]  }
0x11f: {  	v52 =	vld [tilespmem:$0x1D0];
	v3 =	vadd.s32 v49, v3  }
0x120: {  	v53 =	vld [tilespmem:$0x1E0];
	[tilespmem:$0x100] =	vst v3;
	v3 =	vadd.s32 v49, v47  }
0x121: {  	v54 =	vld [tilespmem:$0x1F0];
	[tilespmem:$0x110] =	vst v3;
	v3 =	vadd.s32 v49, v48  }
0x122: {  	[tilespmem:$0x120] =	vst v3;
	v3 =	vadd.s32 v49, v50  }
0x123: {  	[tilespmem:$0x130] =	vst v3;
	v3 =	vadd.s32 v49, v51  }
0x124: {  	[tilespmem:$0x140] =	vst v3;
	v3 =	vadd.s32 v49, v52  }
0x125: {  	[tilespmem:$0x150] =	vst v3;
	v3 =	vadd.s32 v49, v53  }
0x126: {  	[tilespmem:$0x160] =	vst v3;
	v3 =	vadd.s32 v49, v54  }
0x127: {  	s17 =	sadd.s32 $0x580, s16;
	[tilespmem:$0x170] =	vst v3  }
0x128: {  	[spmem:s3] =	stream.indirect.scatter.add.f32 [tilespmem:s17], [sflag:$0x2], $0x1, s26, s25, $0xb8;
	[tilespmem:$0x18500] =	vst v63  }
0x129: {  	_ =	swait.ge [sflag:s24], $0x80  }
0x12a: {  	[sflag:s24] =	ssyncset.done $0x0  }
0x12b: {  	[sflag:s24] =	ssyncadd.s32 $0xFFFFFF80  }
0x12c: {  	v3 =	vld [tilespmem:$0x180]  }
0x12d: {  	v55 =	vld [tilespmem:$0x190]  }
0x12e: {  	v56 =	vld [tilespmem:$0x1A0]  }
0x12f: {  	v57 =	vbroadcast v2, $0x8;
	v58 =	vld [tilespmem:$0x1B0]  }
0x130: {  	v59 =	vld [tilespmem:$0x1C0]  }
0x131: {  	v60 =	vld [tilespmem:$0x1D0];
	v3 =	vadd.s32 v57, v3  }
0x132: {  	v61 =	vld [tilespmem:$0x1E0];
	[tilespmem:$0x100] =	vst v3;
	v3 =	vadd.s32 v57, v55  }
0x133: {  	v62 =	vld [tilespmem:$0x1F0];
	[tilespmem:$0x110] =	vst v3;
	v3 =	vadd.s32 v57, v56  }
0x134: {  	[tilespmem:$0x120] =	vst v3;
	v3 =	vadd.s32 v57, v58  }
0x135: {  	[tilespmem:$0x130] =	vst v3;
	v3 =	vadd.s32 v57, v59  }
0x136: {  	[tilespmem:$0x140] =	vst v3;
	v3 =	vadd.s32 v57, v60  }
0x137: {  	[tilespmem:$0x150] =	vst v3;
	v3 =	vadd.s32 v57, v61  }
0x138: {  	[tilespmem:$0x160] =	vst v3;
	v3 =	vadd.s32 v57, v62  }
0x139: {  	s17 =	sadd.s32 $0x600, s16;
	[tilespmem:$0x170] =	vst v3  }
0x13a: {  	[spmem:s3] =	stream.indirect.scatter.add.f32 [tilespmem:s17], [sflag:$0x2], $0x1, s26, s25, $0xb8;
	[tilespmem:$0x18500] =	vst v63  }
0x13b: {  	_ =	swait.ge [sflag:s24], $0x80  }
0x13c: {  	[sflag:s24] =	ssyncset.done $0x0  }
0x13d: {  	[sflag:s24] =	ssyncadd.s32 $0xFFFFFF80  }
0x13e: {  	v3 =	vld [tilespmem:$0x180]  }
0x13f: {  	v63 =	vld [tilespmem:$0x190]  }
0x140: {  	v12 =	vld [tilespmem:$0x1A0]  }
0x141: {  	v13 =	vbroadcast v2, $0x9;
	v14 =	vld [tilespmem:$0x1B0]  }
0x142: {  	v15 =	vld [tilespmem:$0x1C0]  }
0x143: {  	v16 =	vld [tilespmem:$0x1D0];
	v3 =	vadd.s32 v13, v3  }
0x144: {  	v17 =	vld [tilespmem:$0x1E0];
	[tilespmem:$0x100] =	vst v3;
	v3 =	vadd.s32 v13, v63  }
0x145: {  	v18 =	vld [tilespmem:$0x1F0];
	[tilespmem:$0x110] =	vst v3;
	v3 =	vadd.s32 v13, v12  }
0x146: {  	[tilespmem:$0x120] =	vst v3;
	v3 =	vadd.s32 v13, v14  }
0x147: {  	[tilespmem:$0x130] =	vst v3;
	v3 =	vadd.s32 v13, v15  }
0x148: {  	[tilespmem:$0x140] =	vst v3;
	v3 =	vadd.s32 v13, v16  }
0x149: {  	[tilespmem:$0x150] =	vst v3;
	v3 =	vadd.s32 v13, v17  }
0x14a: {  	[tilespmem:$0x160] =	vst v3;
	v3 =	vadd.s32 v13, v18  }
0x14b: {  	s17 =	sadd.s32 $0x680, s16;
	[tilespmem:$0x170] =	vst v3  }
0x14c: {  	[spmem:s3] =	stream.indirect.scatter.add.f32 [tilespmem:s17], [sflag:$0x2], $0x1, s26, s25, $0xb8;
	[tilespmem:$0x18500] =	vst v63  }
0x14d: {  	_ =	swait.ge [sflag:s24], $0x80  }
0x14e: {  	[sflag:s24] =	ssyncset.done $0x0  }
0x14f: {  	[sflag:s24] =	ssyncadd.s32 $0xFFFFFF80  }
0x150: {  	v3 =	vld [tilespmem:$0x180]  }
0x151: {  	v19 =	vld [tilespmem:$0x190]  }
0x152: {  	v20 =	vld [tilespmem:$0x1A0]  }
0x153: {  	v21 =	vbroadcast v2, $0xA;
	v22 =	vld [tilespmem:$0x1B0]  }
0x154: {  	v23 =	vld [tilespmem:$0x1C0]  }
0x155: {  	v24 =	vld [tilespmem:$0x1D0];
	v3 =	vadd.s32 v21, v3  }
0x156: {  	v25 =	vld [tilespmem:$0x1E0];
	[tilespmem:$0x100] =	vst v3;
	v3 =	vadd.s32 v21, v19  }
0x157: {  	v26 =	vld [tilespmem:$0x1F0];
	[tilespmem:$0x110] =	vst v3;
	v3 =	vadd.s32 v21, v20  }
0x158: {  	[tilespmem:$0x120] =	vst v3;
	v3 =	vadd.s32 v21, v22  }
0x159: {  	[tilespmem:$0x130] =	vst v3;
	v3 =	vadd.s32 v21, v23  }
0x15a: {  	[tilespmem:$0x140] =	vst v3;
	v3 =	vadd.s32 v21, v24  }
0x15b: {  	[tilespmem:$0x150] =	vst v3;
	v3 =	vadd.s32 v21, v25  }
0x15c: {  	[tilespmem:$0x160] =	vst v3;
	v3 =	vadd.s32 v21, v26  }
0x15d: {  	s17 =	sadd.s32 $0x700, s16;
	[tilespmem:$0x170] =	vst v3  }
0x15e: {  	[spmem:s3] =	stream.indirect.scatter.add.f32 [tilespmem:s17], [sflag:$0x2], $0x1, s26, s25, $0xb8;
	[tilespmem:$0x18500] =	vst v63  }
0x15f: {  	_ =	swait.ge [sflag:s24], $0x80  }
0x160: {  	[sflag:s24] =	ssyncset.done $0x0  }
0x161: {  	[sflag:s24] =	ssyncadd.s32 $0xFFFFFF80  }
0x162: {  	v3 =	vld [tilespmem:$0x180]  }
0x163: {  	v27 =	vld [tilespmem:$0x190]  }
0x164: {  	v28 =	vld [tilespmem:$0x1A0]  }
0x165: {  	v29 =	vbroadcast v2, $0xB;
	v30 =	vld [tilespmem:$0x1B0]  }
0x166: {  	v31 =	vld [tilespmem:$0x1C0]  }
0x167: {  	v32 =	vld [tilespmem:$0x1D0];
	v3 =	vadd.s32 v29, v3  }
0x168: {  	v33 =	vld [tilespmem:$0x1E0];
	[tilespmem:$0x100] =	vst v3;
	v3 =	vadd.s32 v29, v27  }
0x169: {  	v34 =	vld [tilespmem:$0x1F0];
	[tilespmem:$0x110] =	vst v3;
	v3 =	vadd.s32 v29, v28  }
0x16a: {  	[tilespmem:$0x120] =	vst v3;
	v3 =	vadd.s32 v29, v30  }
0x16b: {  	[tilespmem:$0x130] =	vst v3;
	v3 =	vadd.s32 v29, v31  }
0x16c: {  	[tilespmem:$0x140] =	vst v3;
	v3 =	vadd.s32 v29, v32  }
0x16d: {  	[tilespmem:$0x150] =	vst v3;
	v3 =	vadd.s32 v29, v33  }
0x16e: {  	[tilespmem:$0x160] =	vst v3;
	v3 =	vadd.s32 v29, v34  }
0x16f: {  	s17 =	sadd.s32 $0x780, s16;
	[tilespmem:$0x170] =	vst v3  }
0x170: {  	[spmem:s3] =	stream.indirect.scatter.add.f32 [tilespmem:s17], [sflag:$0x2], $0x1, s26, s25, $0xb8;
	[tilespmem:$0x18500] =	vst v63  }
0x171: {  	_ =	swait.ge [sflag:s24], $0x80  }
0x172: {  	[sflag:s24] =	ssyncset.done $0x0  }
0x173: {  	[sflag:s24] =	ssyncadd.s32 $0xFFFFFF80  }
0x174: {  	v3 =	vld [tilespmem:$0x180]  }
0x175: {  	v35 =	vld [tilespmem:$0x190]  }
0x176: {  	v36 =	vld [tilespmem:$0x1A0]  }
0x177: {  	v37 =	vbroadcast v2, $0xC;
	v38 =	vld [tilespmem:$0x1B0]  }
0x178: {  	v39 =	vld [tilespmem:$0x1C0]  }
0x179: {  	v40 =	vld [tilespmem:$0x1D0];
	v3 =	vadd.s32 v37, v3  }
0x17a: {  	v41 =	vld [tilespmem:$0x1E0];
	[tilespmem:$0x100] =	vst v3;
	v3 =	vadd.s32 v37, v35  }
0x17b: {  	v42 =	vld [tilespmem:$0x1F0];
	[tilespmem:$0x110] =	vst v3;
	v3 =	vadd.s32 v37, v36  }
0x17c: {  	[tilespmem:$0x120] =	vst v3;
	v3 =	vadd.s32 v37, v38  }
0x17d: {  	[tilespmem:$0x130] =	vst v3;
	v3 =	vadd.s32 v37, v39  }
0x17e: {  	[tilespmem:$0x140] =	vst v3;
	v3 =	vadd.s32 v37, v40  }
0x17f: {  	[tilespmem:$0x150] =	vst v3;
	v3 =	vadd.s32 v37, v41  }
0x180: {  	[tilespmem:$0x160] =	vst v3;
	v3 =	vadd.s32 v37, v42  }
0x181: {  	s17 =	sadd.s32 $0x800, s16;
	[tilespmem:$0x170] =	vst v3  }
0x182: {  	[spmem:s3] =	stream.indirect.scatter.add.f32 [tilespmem:s17], [sflag:$0x2], $0x1, s26, s25, $0xb8;
	[tilespmem:$0x18500] =	vst v63  }
0x183: {  	_ =	swait.ge [sflag:s24], $0x80  }
0x184: {  	[sflag:s24] =	ssyncset.done $0x0  }
0x185: {  	[sflag:s24] =	ssyncadd.s32 $0xFFFFFF80  }
0x186: {  	v3 =	vld [tilespmem:$0x180]  }
0x187: {  	v43 =	vld [tilespmem:$0x190]  }
0x188: {  	v44 =	vld [tilespmem:$0x1A0]  }
0x189: {  	v45 =	vbroadcast v2, $0xD;
	v46 =	vld [tilespmem:$0x1B0]  }
0x18a: {  	v47 =	vld [tilespmem:$0x1C0]  }
0x18b: {  	v48 =	vld [tilespmem:$0x1D0];
	v3 =	vadd.s32 v45, v3  }
0x18c: {  	v49 =	vld [tilespmem:$0x1E0];
	[tilespmem:$0x100] =	vst v3;
	v3 =	vadd.s32 v45, v43  }
0x18d: {  	v50 =	vld [tilespmem:$0x1F0];
	[tilespmem:$0x110] =	vst v3;
	v3 =	vadd.s32 v45, v44  }
0x18e: {  	[tilespmem:$0x120] =	vst v3;
	v3 =	vadd.s32 v45, v46  }
0x18f: {  	[tilespmem:$0x130] =	vst v3;
	v3 =	vadd.s32 v45, v47  }
0x190: {  	[tilespmem:$0x140] =	vst v3;
	v3 =	vadd.s32 v45, v48  }
0x191: {  	[tilespmem:$0x150] =	vst v3;
	v3 =	vadd.s32 v45, v49  }
0x192: {  	[tilespmem:$0x160] =	vst v3;
	v3 =	vadd.s32 v45, v50  }
0x193: {  	s17 =	sadd.s32 $0x880, s16;
	[tilespmem:$0x170] =	vst v3  }
0x194: {  	[spmem:s3] =	stream.indirect.scatter.add.f32 [tilespmem:s17], [sflag:$0x2], $0x1, s26, s25, $0xb8;
	[tilespmem:$0x18500] =	vst v63  }
0x195: {  	_ =	swait.ge [sflag:s24], $0x80  }
0x196: {  	[sflag:s24] =	ssyncset.done $0x0  }
0x197: {  	[sflag:s24] =	ssyncadd.s32 $0xFFFFFF80  }
0x198: {  	v3 =	vld [tilespmem:$0x180]  }
0x199: {  	v51 =	vld [tilespmem:$0x190]  }
0x19a: {  	v52 =	vld [tilespmem:$0x1A0]  }
0x19b: {  	v53 =	vbroadcast v2, $0xE;
	v54 =	vld [tilespmem:$0x1B0]  }
0x19c: {  	v55 =	vld [tilespmem:$0x1C0]  }
0x19d: {  	v56 =	vld [tilespmem:$0x1D0];
	v3 =	vadd.s32 v53, v3  }
0x19e: {  	v57 =	vld [tilespmem:$0x1E0];
	[tilespmem:$0x100] =	vst v3;
	v3 =	vadd.s32 v53, v51  }
0x19f: {  	v58 =	vld [tilespmem:$0x1F0];
	[tilespmem:$0x110] =	vst v3;
	v3 =	vadd.s32 v53, v52  }
0x1a0: {  	[tilespmem:$0x120] =	vst v3;
	v3 =	vadd.s32 v53, v54  }
0x1a1: {  	[tilespmem:$0x130] =	vst v3;
	v3 =	vadd.s32 v53, v55  }
0x1a2: {  	[tilespmem:$0x140] =	vst v3;
	v3 =	vadd.s32 v53, v56  }
0x1a3: {  	[tilespmem:$0x150] =	vst v3;
	v3 =	vadd.s32 v53, v57  }
0x1a4: {  	[tilespmem:$0x160] =	vst v3;
	v3 =	vadd.s32 v53, v58  }
0x1a5: {  	s17 =	sadd.s32 $0x900, s16;
	[tilespmem:$0x170] =	vst v3  }
0x1a6: {  	[spmem:s3] =	stream.indirect.scatter.add.f32 [tilespmem:s17], [sflag:$0x2], $0x1, s26, s25, $0xb8;
	[tilespmem:$0x18500] =	vst v63  }
0x1a7: {  	_ =	swait.ge [sflag:s24], $0x80  }
0x1a8: {  	(v2sf) =	vpush v2, $0xF;
	_ =	sdelay $0x8  }
0x1a9: {  	[sflag:s24] =	ssyncset.done $0x0  }
0x1aa: {  	[sflag:s24] =	ssyncadd.s32 $0xFFFFFF80  }
0x1ab: {  	v2 =	vld [tilespmem:$0x180]  }
0x1ac: {  	v3 =	vld [tilespmem:$0x190]  }
0x1ad: {  	v59 =	vld [tilespmem:$0x1A0]  }
0x1ae: {  	v60 =	vld [tilespmem:$0x1B0]  }
0x1af: {  	v61 =	vld [tilespmem:$0x1C0];
	s17 =	spop (v2sf)  }
0x1b0: {  	v62 =	vld [tilespmem:$0x1D0];
	v2 =	vadd.s32 s17, v2  }
0x1b1: {  	[tilespmem:$0x100] =	vst v2;
	v2 =	vadd.s32 s17, v3;
	v3 =	vld [tilespmem:$0x1E0]  }
0x1b2: {  	v63 =	vld [tilespmem:$0x1F0];
	[tilespmem:$0x110] =	vst v2;
	v2 =	vadd.s32 s17, v59  }
0x1b3: {  	[tilespmem:$0x120] =	vst v2;
	v2 =	vadd.s32 s17, v60  }
0x1b4: {  	[tilespmem:$0x130] =	vst v2;
	v2 =	vadd.s32 s17, v61  }
0x1b5: {  	[tilespmem:$0x140] =	vst v2;
	v2 =	vadd.s32 s17, v62  }
0x1b6: {  	[tilespmem:$0x150] =	vst v2;
	v2 =	vadd.s32 s17, v3  }
0x1b7: {  	p0 =	sne.s32 s11, $0xE000;
	[tilespmem:$0x160] =	vst v2;
	v2 =	vadd.s32 s17, v63  }
.Ltmp2:
0x1b8: {  	s16 =	sadd.s32 $0x980, s16;
	[tilespmem:$0x170] =	vst v2;
	(pc) =	sbr.rel @p0 .LBB2_7-.Ltmp2, $4  }
0x1b9: {  	[spmem:s3] =	stream.indirect.scatter.add.f32 [tilespmem:s16], [sflag:$0x2], $0x1, s26, s25, $0xb8;
	[tilespmem:$0x18500] =	vst v63  }
0x1ba: {  	_ =	swait.ge [sflag:s24], $0x80  }
0x1bb: {  	[sflag:s24] =	ssyncset.done $0x0  }
0x1bc: {  	s23 =	sadd.s32 $0x10, s23;
	s11 =	sadd.s32 $0x2000, s11;
	[sflag:s24] =	ssyncadd.s32 $0xFFFFFF80  }
0x1bd: {  	s6 =	sadd.s32 $0x1, s6  }
0x1be: {  	p0 =	sne.s32 s6, $0x4F  }
.Ltmp3:
0x1bf: {  	_ = 	snop;
	(pc) =	sbr.rel @p0 .LBB2_6-.Ltmp3, $1  }
0x1c0: {  	_ =	sdelay $0x3  }
0x1c1: {  	[bflag:$0x0] =	sbarrier.arrive $0xFFFF  }
0x1c2: {  	v2 =	vld [tilespmem:$0x1C0]  }
0x1c3: {  	v3 =	vld [tilespmem:$0x1A0]  }
0x1c4: {  	v4 =	vld [tilespmem:$0x180]  }
0x1c5: {  	v6 =	vld [tilespmem:$0x1B0]  }
0x1c6: {  	v8 =	vld [tilespmem:$0x190]  }
0x1c7: {  	v5 =	vld [tilespmem:$0x1F0];
	v2 =	vadd.s32 s21, v2  }
0x1c8: {  	v7 =	vld [tilespmem:$0x1E0];
	v3 =	vadd.s32 s21, v3;
	[tilespmem:$0x140] =	vst v2  }
0x1c9: {  	v4 =	vadd.s32 s21, v4;
	v2 =	vld [tilespmem:$0x1D0];
	[tilespmem:$0x120] =	vst v3  }
0x1ca: {  	v62 =	vadd.s32 s21, v6;
	[tilespmem:$0x100] =	vst v4  }
0x1cb: {  	v63 =	vadd.s32 s21, v8;
	[tilespmem:$0x130] =	vst v62  }
0x1cc: {  	v3 =	vadd.s32 s21, v5;
	[tilespmem:$0x110] =	vst v63  }
0x1cd: {  	[tilespmem:$0x170] =	vst v3;
	v3 =	vadd.s32 s21, v7  }
0x1ce: {  	[tilespmem:$0x160] =	vst v3;
	v2 =	vadd.s32 s21, v2  }
0x1cf: {  	[tilespmem:$0x150] =	vst v2  }
0x1d0: {  	[tilespmem:s29], [sflag:$0x2] =	stream.indirect.gather [spmem:s3], $0x1, s26, s25, $0xb8;
	[tilespmem:$0x18500] =	vst v63  }
0x1d1: {  	_ =	swait.ge [sflag:s24], $0x80  }
0x1d2: {  	[sflag:s24] =	ssyncset.done $0x0  }
0x1d3: {  	s0 =	sadd.s32 $0x0, s22;
	[sflag:s24] =	ssyncadd.s32 $0xFFFFFF80  }
0x1d4: {  	[hbm4b:s0+s5] =	stream.linear.scatter [tilespmem:s29], [sflag:$0x2], $0x80, $0x38;
	[tilespmem:$0x18500] =	vst v63  }
0x1d5: {  	s6 =	smov.u32 s21;
	s0 =	simm.s32 $0x10;
	_ =	swait.ge [sflag:s24], $0x80  }
.LBB2_10:
0x1d6: {  	p0 =	sne.s32 s0, $0x27F0;
	[sflag:s24] =	ssyncset.done $0x0;
	s6 =	sadd.s32 $0x80, s6  }
0x1d7: {  	s11 =	smov.u32 s0;
	s0 =	sadd.s32 $0x10, s0;
	[sflag:s24] =	ssyncadd.s32 $0xFFFFFF80  }
0x1d8: {  	v2 =	vld [tilespmem:$0x1A0]  }
0x1d9: {  	v3 =	vld [tilespmem:$0x1C0]  }
0x1da: {  	v4 =	vld [tilespmem:$0x1B0]  }
0x1db: {  	v5 =	vld [tilespmem:$0x180]  }
0x1dc: {  	v6 =	vld [tilespmem:$0x1F0]  }
0x1dd: {  	v2 =	vadd.s32 s6, v2;
	v7 =	vld [tilespmem:$0x1E0]  }
0x1de: {  	v3 =	vadd.s32 s6, v3;
	v8 =	vld [tilespmem:$0x1D0]  }
0x1df: {  	v9 =	vld [tilespmem:$0x190];
	[tilespmem:$0x140] =	vst v3  }
0x1e0: {  	v3 =	vadd.s32 s6, v5;
	[tilespmem:$0x120] =	vst v2  }
0x1e1: {  	[tilespmem:$0x100] =	vst v3;
	v2 =	vadd.s32 s6, v6  }
0x1e2: {  	v3 =	vadd.s32 s6, v4;
	v4 =	vadd.s32 s6, v7;
	[tilespmem:$0x170] =	vst v2  }
0x1e3: {  	[tilespmem:$0x130] =	vst v3;
	v2 =	vadd.s32 s6, v8  }
0x1e4: {  	v3 =	vadd.s32 s6, v9;
	[tilespmem:$0x160] =	vst v4  }
0x1e5: {  	[tilespmem:$0x110] =	vst v3  }
0x1e6: {  	[tilespmem:$0x150] =	vst v2  }
0x1e7: {  	[tilespmem:s29], [sflag:$0x2] =	stream.indirect.gather [spmem:s3], $0x1, s26, s25, $0xb8;
	[tilespmem:$0x18500] =	vst v63  }
.Ltmp4:
0x1e8: {  	_ =	swait.ge [sflag:s24], $0x80;
	(pc) =	sbr.rel @p0 .LBB2_10-.Ltmp4, $4  }
0x1e9: {  	s11 =	sadd.s32 s11, s22;
	[sflag:s24] =	ssyncset.done $0x0  }
0x1ea: {  	[sflag:s24] =	ssyncadd.s32 $0xFFFFFF80  }
0x1eb: {  	[hbm4b:s11+s5] =	stream.linear.scatter [tilespmem:s29], [sflag:$0x2], $0x80, $0x38;
	[tilespmem:$0x18500] =	vst v63  }
0x1ec: {  	_ =	swait.ge [sflag:s24], $0x80  }
0x1ed: {  	[sflag:s24] =	ssyncset.done $0x0  }
0x1ee: {  	[sflag:s24] =	ssyncadd.s32 $0xFFFFFF80  }
0x1ef: {  	[tilespmem:s25], [sflag:$0x2] =	stream.linear.gather [hbm4b:s10+s5], $0x80, $0x38;
	[tilespmem:$0x18500] =	vst v63  }
0x1f0: {  	_ =	swait.ge [sflag:s24], $0x80  }
0x1f1: {  	[sflag:s24] =	ssyncset.done $0x0  }
0x1f2: {  	[sflag:s24] =	ssyncadd.s32 $0xFFFFFF80  }
0x1f3: {  	[tilespmem:s29], [sflag:$0x2] =	stream.indirect.gather [spmem:s4], $0x1, s25, s25, $0xb8;
	[tilespmem:$0x18500] =	vst v63  }
0x1f4: {  	_ =	swait.ge [sflag:s24], $0x80  }
0x1f5: {  	[sflag:s24] =	ssyncset.done $0x0  }
0x1f6: {  	s0 =	rddreg [dreg:$0x7];
	[sflag:s24] =	ssyncadd.s32 $0xFFFFFF80  }
0x1f7: {  	[hbm4b:s0+s5] =	stream.linear.scatter [tilespmem:s29], [sflag:$0x2], $0x80, $0x38;
	[tilespmem:$0x18500] =	vst v63  }
0x1f8: {  	_ =	swait.ge [sflag:s24], $0x80  }
0x1f9: {  	[sflag:s24] =	ssyncset.done $0x0  }
0x1fa: {  	[sflag:s24] =	ssyncadd.s32 $0xFFFFFF80  }
0x1fb: {  	[tilespmem:s25], [sflag:$0x2] =	stream.linear.gather [hbm4b:s12+s5], $0x80, $0x38;
	[tilespmem:$0x18500] =	vst v63  }
0x1fc: {  	_ =	swait.ge [sflag:s24], $0x80  }
0x1fd: {  	[sflag:s24] =	ssyncset.done $0x0  }
0x1fe: {  	[sflag:s24] =	ssyncadd.s32 $0xFFFFFF80  }
0x1ff: {  	[tilespmem:s29], [sflag:$0x2] =	stream.indirect.gather [spmem:s4], $0x1, s25, s25, $0xb8;
	[tilespmem:$0x18500] =	vst v63  }
0x200: {  	_ =	swait.ge [sflag:s24], $0x80  }
0x201: {  	[sflag:s24] =	ssyncset.done $0x0  }
0x202: {  	s17 =	rddreg [dreg:$0x8];
	[sflag:s24] =	ssyncadd.s32 $0xFFFFFF80  }
0x203: {  	[hbm4b:s17+s5] =	stream.linear.scatter [tilespmem:s29], [sflag:$0x2], $0x80, $0x38;
	[tilespmem:$0x18500] =	vst v63  }
0x204: {  	_ =	swait.ge [sflag:s24], $0x80  }
0x205: {  	[sflag:s24] =	ssyncset.done $0x0  }
0x206: {  	[sflag:s24] =	ssyncadd.s32 $0xFFFFFF80  }
0x207: {  	[tilespmem:s25], [sflag:$0x2] =	stream.linear.gather [hbm4b:s13+s5], $0x80, $0x38;
	[tilespmem:$0x18500] =	vst v63  }
0x208: {  	_ =	swait.ge [sflag:s24], $0x80  }
0x209: {  	[sflag:s24] =	ssyncset.done $0x0  }
0x20a: {  	[sflag:s24] =	ssyncadd.s32 $0xFFFFFF80  }
0x20b: {  	[tilespmem:s29], [sflag:$0x2] =	stream.indirect.gather [spmem:s4], $0x1, s25, s25, $0xb8;
	[tilespmem:$0x18500] =	vst v63  }
0x20c: {  	_ =	swait.ge [sflag:s24], $0x80  }
0x20d: {  	[sflag:s24] =	ssyncset.done $0x0  }
0x20e: {  	[sflag:s24] =	ssyncadd.s32 $0xFFFFFF80  }
0x20f: {  	[hbm4b:s18+s5] =	stream.linear.scatter [tilespmem:s29], [sflag:$0x2], $0x80, $0x38;
	[tilespmem:$0x18500] =	vst v63  }
0x210: {  	_ =	swait.ge [sflag:s24], $0x80  }
0x211: {  	[sflag:s24] =	ssyncset.done $0x0  }
0x212: {  	[sflag:s24] =	ssyncadd.s32 $0xFFFFFF80  }
0x213: {  	[tilespmem:s25], [sflag:$0x2] =	stream.linear.gather [hbm4b:s14+s5], $0x80, $0x38;
	[tilespmem:$0x18500] =	vst v63  }
0x214: {  	_ =	swait.ge [sflag:s24], $0x80  }
0x215: {  	[sflag:s24] =	ssyncset.done $0x0  }
0x216: {  	[sflag:s24] =	ssyncadd.s32 $0xFFFFFF80  }
0x217: {  	[tilespmem:s29], [sflag:$0x2] =	stream.indirect.gather [spmem:s4], $0x1, s25, s25, $0xb8;
	[tilespmem:$0x18500] =	vst v63  }
0x218: {  	_ =	swait.ge [sflag:s24], $0x80  }
0x219: {  	[sflag:s24] =	ssyncset.done $0x0  }
0x21a: {  	[sflag:s24] =	ssyncadd.s32 $0xFFFFFF80  }
0x21b: {  	[hbm4b:s19+s5] =	stream.linear.scatter [tilespmem:s29], [sflag:$0x2], $0x80, $0x38;
	[tilespmem:$0x18500] =	vst v63  }
0x21c: {  	_ =	swait.ge [sflag:s24], $0x80  }
0x21d: {  	[sflag:s24] =	ssyncset.done $0x0  }
0x21e: {  	[sflag:s24] =	ssyncadd.s32 $0xFFFFFF80  }
0x21f: {  	[tilespmem:s25], [sflag:$0x2] =	stream.linear.gather [hbm4b:s15+s5], $0x80, $0x38;
	[tilespmem:$0x18500] =	vst v63  }
0x220: {  	_ =	swait.ge [sflag:s24], $0x80  }
0x221: {  	[sflag:s24] =	ssyncset.done $0x0  }
0x222: {  	[sflag:s24] =	ssyncadd.s32 $0xFFFFFF80  }
0x223: {  	[tilespmem:s29], [sflag:$0x2] =	stream.indirect.gather [spmem:s4], $0x1, s25, s25, $0xb8;
	[tilespmem:$0x18500] =	vst v63  }
0x224: {  	_ =	swait.ge [sflag:s24], $0x80  }
0x225: {  	[sflag:s24] =	ssyncset.done $0x0  }
0x226: {  	[sflag:s24] =	ssyncadd.s32 $0xFFFFFF80  }
0x227: {  	[hbm4b:s20+s5] =	stream.linear.scatter [tilespmem:s29], [sflag:$0x2], $0x80, $0x38;
	[tilespmem:$0x18500] =	vst v63  }
0x228: {  	_ =	swait.ge [sflag:s24], $0x80  }
0x229: {  	s31 =	sadd.s32 $0x1, s31;
	s23 =	rddreg [dreg:$0x6]  }
0x22a: {  	p0 =	sne.s32 s31, s23  }
.Ltmp5:
0x22b: {  	_ = 	snop;
	(pc) =	sbr.rel @p0 .LBB2_1-.Ltmp5, $3  }
0x22c: {  	_ =	sdelay $0x1  }
0x22d: {  	[sflag:s24] =	ssyncset.done $0x0  }
0x22e: {  	[sflag:s24] =	ssyncadd.s32 $0xFFFFFF80  }
0x22f: {  	_ =	sfence.sel $0x180000  }
0x230: {  	[bflag:$0x0] =	sbarrier.arrive $0xFFFF  }
0x231: {  	_ =	strace $0x90000047  }
0x232: {  	s0 =	stileid.u32;
	[bflag:$0x2] =	sbarrier.arrive $0xFFFF  }
0x233: {  	p0 =	sne.s32 s0, $0x0;
	s0 =	rddreg [dreg:$0x5]  }
0x234: {  	s0 =	sadd.s32 @!p0 $0x100000, s0  }
0x235: {  	[sflag:s0] =	ssyncadd.tile.s32 @!p0 $0x1;
	_ =	shalt  }
.Lfunc_end2:
_tile_overlayer_lowered:
.L_overlay_start_2:
0x236: {  	(tag) =	ssettag $0x2  }
0x237: {  	s0 =	rddreg [dreg:$0x0];
	s2 =	stileid.u32  }
0x238: {  	s1 =	rddreg [dreg:$0x1];
	p0 =	sne.s32 s2, $0x0  }
0x239: {  	s3 =	rddreg [dreg:$0x2];
	[bflag:$0x3] =	sbarrier.arrive $0xFFFF;
	s2 =	simm.s32 @!p0 $0x1C02  }
0x23a: {  	[timem:s3], [sflag:s2] =	dma.local @!p0 [hbm:s0], s1  }
0x23b: {  	s0 =	simm.s32 @!p0 $0x2  }
0x23c: {  	_ =	swait.ge @!p0 [sflag:s0], s1  }
0x23d: {  	s1 =	ssub.s32 @!p0 $0x0, s1;
	[sflag:s0] =	ssyncset.done @!p0 $0x0  }
0x23e: {  	[sflag:s0] =	ssyncadd.s32 @!p0 s1  }
0x23f: {  	[bflag:$0x3] =	sbarrier.arrive $0xFFFF  }
0x240: {  	_ =	shalt  }

</sc_bundles>
